<compile_context>
chip_gen: v7x
topology: tpu7x:2x2x1
jax: 0.10.2.dev20260603
libtpu: 0.0.44.dev20260713+nightly
codegen_flags: <defaults>
</compile_context>

<pallas_src>
import functools

import jax
import jax.numpy as jnp
from jax import lax
from jax.experimental import pallas as pl
from jax.experimental.pallas import tpu as pltpu
from jax.experimental.pallas import tpu_sc as plsc

N = 10000
E = 320000
D = 128
DH = D // 2

NC = 2
NS = 16
CH = 125
EPT = E // NS
NCH = EPT // CH
ROWS_PER_TILE = N // NS
KI = ROWS_PER_TILE // CH

_mesh = plsc.VectorSubcoreMesh(core_axis_name="c", subcore_axis_name="s")


@functools.partial(
    pl.kernel,
    mesh=_mesh,
    compiler_params=pltpu.CompilerParams(use_tc_tiling_on_sc=False),
    out_type=jax.ShapeDtypeStruct((2 * N, DH), jnp.float32),
    scratch_types=[
        pltpu.VMEM((NCH, CH), jnp.int32),
        pltpu.VMEM((NCH, CH), jnp.int32),
        pltpu.VMEM((KI, CH), jnp.int32),
        pltpu.VMEM((CH, DH), jnp.float32),
        pltpu.VMEM((CH, DH), jnp.float32),
        pltpu.VMEM((CH, DH), jnp.float32),
        pltpu.VMEM((CH, DH), jnp.float32),
        pltpu.VMEM((CH, DH), jnp.float32),
        pltpu.VMEM((CH, DH), jnp.float32),
        pltpu.VMEM_SHARED((N, DH), jnp.float32),
        pltpu.SemaphoreType.DMA,
        pltpu.SemaphoreType.DMA,
        pltpu.SemaphoreType.DMA,
        pltpu.SemaphoreType.DMA,
        pltpu.SemaphoreType.DMA,
        pltpu.SemaphoreType.DMA,
        pltpu.SemaphoreType.DMA,
        pltpu.SemaphoreType.DMA,
        pltpu.SemaphoreType.DMA,
        pltpu.SemaphoreType.DMA,
        pltpu.SemaphoreType.DMA,
        pltpu.SemaphoreType.DMA,
    ],
)
def _scatter_sum(x2_hbm, src_hbm, dst_hbm, rid_hbm, out_hbm,
                 src_v, dst_v, rid_v, rows0, rows1, rows2, rows3, rows4, rows5,
                 acc, gs0, gs1, gs2, gs3, gs4, gs5, ss0, ss1, ss2, ss3, ss4, ss5):
    c = lax.axis_index("c")
    s = lax.axis_index("s")

    bufs = (rows0, rows1, rows2, rows3, rows4, rows5)
    gsem = (gs0, gs1, gs2, gs3, gs4, gs5)
    ssem = (ss0, ss1, ss2, ss3, ss4, ss5)

    def gissue(i, b):
        pltpu.async_copy(x2_hbm.at[src_v.at[i]], bufs[b], gsem[b])

    def gwait(i, b):
        pltpu.make_async_copy(x2_hbm.at[src_v.at[i]], bufs[b], gsem[b]).wait()

    def sissue(i, b):
        pltpu.async_copy(bufs[b], acc.at[dst_v.at[i]], ssem[b], add=True)

    def swait(i, b):
        pltpu.make_async_copy(bufs[b], acc.at[dst_v.at[i]], ssem[b]).wait()

    pltpu.async_copy(rid_hbm.at[c, s], rid_v, ss5)
    pltpu.async_copy(src_hbm.at[c, s], src_v, ss4)
    pltpu.async_copy(dst_hbm.at[s], dst_v, ss3)

    pltpu.make_async_copy(src_hbm.at[c, s], src_v, ss4).wait()
    gissue(0, 0)
    gissue(1, 1)
    gissue(2, 2)
    gissue(3, 3)

    r0 = s * ROWS_PER_TILE
    pltpu.make_async_copy(rid_hbm.at[c, s], rid_v, ss5).wait()
    pltpu.async_copy(x2_hbm.at[rid_v.at[0]], rows4, gs4)
    pltpu.async_copy(x2_hbm.at[rid_v.at[1]], rows5, gs5)
    for k in range(KI):
        buf, sem = (rows4, gs4) if k % 2 == 0 else (rows5, gs5)
        pltpu.make_async_copy(x2_hbm.at[rid_v.at[k]], buf, sem).wait()
        pltpu.sync_copy(buf, acc.at[pl.ds(r0 + k * CH, CH)])
        if k + 2 < KI:
            pltpu.async_copy(x2_hbm.at[rid_v.at[k + 2]], buf, sem)

    pltpu.make_async_copy(dst_hbm.at[s], dst_v, ss3).wait()
    plsc.subcore_barrier()

    NB, GA, SH = 6, 4, 2
    for t in range(SH):
        gwait(t, t)
        sissue(t, t)
        gissue(t + GA, t + GA)
    for t in range(SH, NB):
        swait(t - SH, t - SH)
        gissue(t + GA, t - SH)
        gwait(t, t)
        sissue(t, t)

    def body(j, carry):
        c0 = NB + NB * j
        for b in range(NB):
            ci = c0 + b
            swait(ci - SH, (b + GA) % NB)
            gissue(ci + GA, (b + GA) % NB)
            gwait(ci, b)
            sissue(ci, b)
        return carry

    lax.fori_loop(0, (NCH - 10) // NB, body, 0)
    for t in range(NCH - 4, NCH):
        swait(t - SH, (t - SH) % NB)
        gwait(t, t % NB)
        sissue(t, t % NB)
    for t in range(NCH - SH, NCH):
        swait(t, t % NB)

    plsc.subcore_barrier()

    for k in range(KI):
        buf, sem = (rows0, gs0) if k % 2 == 0 else (rows1, gs1)
        if k >= 2:
            pltpu.make_async_copy(buf, out_hbm.at[rid_v.at[k - 2]], sem).wait()
        pltpu.sync_copy(acc.at[pl.ds(r0 + k * CH, CH)], buf)
        pltpu.async_copy(buf, out_hbm.at[rid_v.at[k]], sem)
    pltpu.make_async_copy(rows1, out_hbm.at[rid_v.at[KI - 2]], gs1).wait()
    pltpu.make_async_copy(rows0, out_hbm.at[rid_v.at[KI - 1]], gs0).wait()


def kernel(x, edge_index):
    x2 = x.reshape(2 * N, DH)
    src = edge_index[0]
    dst = edge_index[1]
    src2 = jnp.stack([2 * src, 2 * src + 1]).reshape(NC, NS, NCH, CH)
    dst3 = dst.reshape(NS, NCH, CH)
    row = jnp.arange(N, dtype=jnp.int32)
    rid = jnp.stack([2 * row, 2 * row + 1]).reshape(NC, NS, KI, CH)
    out2 = _scatter_sum(x2, src2, dst3, rid)
    return out2.reshape(N, D)

# --- scband reference (transcript-rebuilt; emitter-appended) ---
"""Pipeline reference for scband-ginconv-37555194036647 (READ-ONLY COPY).

The authoritative reference and input builder live on the scoring server;
editing this copy changes nothing except your own understanding.
"""

import jax, jax.numpy as jnp
import numpy as np

N = 10000
E = 320000
D = 128
EPS = 0.0  # init_eps=0, learn_eps=False (buffer, not a parameter)


def setup_inputs(seed: int = 0) -> dict:
    key = jax.random.key(seed)
    k1, k2 = jax.random.split(key)
    x = jax.random.normal(k1, (N, D), dtype=jnp.float32)
    edge_index = jax.random.randint(k2, (2, E), 0, N, dtype=jnp.int32)
    return {"x": x, "edge_index": edge_index}


def reference(x, edge_index):
    # GINConv with aggregator_type='sum', apply_func=None:
    #   neigh[i] = sum_{j in N(i)} x[j]  (copy_u -> sum reduce over dst)
    #   rst = (1 + eps) * x + neigh
    src = edge_index[0]
    dst = edge_index[1]
    m = jnp.take(x, src, axis=0)                      # gather source features (copy_u)
    neigh = jax.ops.segment_sum(m, dst, num_segments=N)  # scatter-add to dst nodes
    rst = (1.0 + EPS) * x + neigh
    return rst

if __name__ == "__main__":
    import jax
    _d = setup_inputs()
    print(jax.jit(kernel)(*tuple(_d.values())))

</pallas_src>

<mosaic_0001>
#map = affine_map<(d0, d1) -> (0, 0)>
#map1 = affine_map<(d0, d1) -> (0, 0, 0, 0)>
#map2 = affine_map<(d0, d1) -> (0, 0, 0)>
module attributes {stable_mosaic.version = 14 : i64} {
  func.func @_scatter_sum(%arg0: i32, %arg1: i32, %arg2: memref<20000x64xf32, #tpu.memory_space<hbm>>, %arg3: memref<2x16x160x125xi32, #tpu.memory_space<hbm>>, %arg4: memref<16x160x125xi32, #tpu.memory_space<hbm>>, %arg5: memref<2x16x5x125xi32, #tpu.memory_space<hbm>>, %arg6: memref<20000x64xf32, #tpu.memory_space<hbm>>, %arg7: memref<160x125xi32, #tpu.memory_space<vmem>>, %arg8: memref<160x125xi32, #tpu.memory_space<vmem>>, %arg9: memref<5x125xi32, #tpu.memory_space<vmem>>, %arg10: memref<125x64xf32, #tpu.memory_space<vmem>>, %arg11: memref<125x64xf32, #tpu.memory_space<vmem>>, %arg12: memref<125x64xf32, #tpu.memory_space<vmem>>, %arg13: memref<125x64xf32, #tpu.memory_space<vmem>>, %arg14: memref<125x64xf32, #tpu.memory_space<vmem>>, %arg15: memref<125x64xf32, #tpu.memory_space<vmem>>, %arg16: memref<10000x64xf32, #tpu.memory_space<vmem_shared>>, %arg17: memref<!tpu.dma_semaphore, #tpu.memory_space<semaphore_mem>>, %arg18: memref<!tpu.dma_semaphore, #tpu.memory_space<semaphore_mem>>, %arg19: memref<!tpu.dma_semaphore, #tpu.memory_space<semaphore_mem>>, %arg20: memref<!tpu.dma_semaphore, #tpu.memory_space<semaphore_mem>>, %arg21: memref<!tpu.dma_semaphore, #tpu.memory_space<semaphore_mem>>, %arg22: memref<!tpu.dma_semaphore, #tpu.memory_space<semaphore_mem>>, %arg23: memref<!tpu.dma_semaphore, #tpu.memory_space<semaphore_mem>>, %arg24: memref<!tpu.dma_semaphore, #tpu.memory_space<semaphore_mem>>, %arg25: memref<!tpu.dma_semaphore, #tpu.memory_space<semaphore_mem>>, %arg26: memref<!tpu.dma_semaphore, #tpu.memory_space<semaphore_mem>>, %arg27: memref<!tpu.dma_semaphore, #tpu.memory_space<semaphore_mem>>, %arg28: memref<!tpu.dma_semaphore, #tpu.memory_space<semaphore_mem>>) attributes {dimension_semantics = [#tpu.dimension_semantics<core_parallel>, #tpu.dimension_semantics<subcore_parallel>], iteration_bounds = array<i64: 2, 16>, scalar_prefetch = 0 : i64, scratch_operands = 22 : i64, tpu.core_type = #tpu.core_type<sc_vector_subcore>, window_params = [{transform_indices = #map}, {transform_indices = #map1}, {transform_indices = #map2}, {transform_indices = #map1}, {transform_indices = #map}]} {
    %dma_start3A = arith.constant 0 : i32
    %dma_start3A_0 = arith.constant 0 : i32
    %dma_start3A_1 = tpu.memref_slice %arg5[%arg0, %arg1, %dma_start3A, %dma_start3A_0] : memref<2x16x5x125xi32, #tpu.memory_space<hbm>> -> memref<1x1x5x125xi32, #tpu.memory_space<hbm>>
    %dma_start3A_2 = tpu.memref_squeeze %dma_start3A_1 : memref<1x1x5x125xi32, #tpu.memory_space<hbm>> -> memref<5x125xi32, #tpu.memory_space<hbm>>
    %dma_start3A_3 = arith.constant 0 : i32
    %dma_start3A_4 = arith.constant 0 : i32
    %dma_start3A_5 = tpu.memref_slice %arg5[%arg0, %arg1, %dma_start3A_3, %dma_start3A_4] : memref<2x16x5x125xi32, #tpu.memory_space<hbm>> -> memref<1x1x5x125xi32, #tpu.memory_space<hbm>>
    %dma_start3A_6 = tpu.memref_squeeze %dma_start3A_5 : memref<1x1x5x125xi32, #tpu.memory_space<hbm>> -> memref<5x125xi32, #tpu.memory_space<hbm>>
    tpu.enqueue_dma source(%dma_start3A_6 : memref<5x125xi32, #tpu.memory_space<hbm>>) target(%arg9 : memref<5x125xi32, #tpu.memory_space<vmem>>) target_semaphore(%arg28 : memref<!tpu.dma_semaphore, #tpu.memory_space<semaphore_mem>>)
    %dma_start3A_7 = arith.constant 0 : i32
    %dma_start3A_8 = arith.constant 0 : i32
    %dma_start3A_9 = tpu.memref_slice %arg3[%arg0, %arg1, %dma_start3A_7, %dma_start3A_8] : memref<2x16x160x125xi32, #tpu.memory_space<hbm>> -> memref<1x1x160x125xi32, #tpu.memory_space<hbm>>
    %dma_start3A_10 = tpu.memref_squeeze %dma_start3A_9 : memref<1x1x160x125xi32, #tpu.memory_space<hbm>> -> memref<160x125xi32, #tpu.memory_space<hbm>>
    %dma_start3A_11 = arith.constant 0 : i32
    %dma_start3A_12 = arith.constant 0 : i32
    %dma_start3A_13 = tpu.memref_slice %arg3[%arg0, %arg1, %dma_start3A_11, %dma_start3A_12] : memref<2x16x160x125xi32, #tpu.memory_space<hbm>> -> memref<1x1x160x125xi32, #tpu.memory_space<hbm>>
    %dma_start3A_14 = tpu.memref_squeeze %dma_start3A_13 : memref<1x1x160x125xi32, #tpu.memory_space<hbm>> -> memref<160x125xi32, #tpu.memory_space<hbm>>
    tpu.enqueue_dma source(%dma_start3A_14 : memref<160x125xi32, #tpu.memory_space<hbm>>) target(%arg7 : memref<160x125xi32, #tpu.memory_space<vmem>>) target_semaphore(%arg27 : memref<!tpu.dma_semaphore, #tpu.memory_space<semaphore_mem>>)
    %dma_start3A_15 = arith.constant 0 : i32
    %dma_start3A_16 = arith.constant 0 : i32
    %dma_start3A_17 = tpu.memref_slice %arg4[%arg1, %dma_start3A_15, %dma_start3A_16] : memref<16x160x125xi32, #tpu.memory_space<hbm>> -> memref<1x160x125xi32, #tpu.memory_space<hbm>>
    %dma_start3A_18 = tpu.memref_squeeze %dma_start3A_17 : memref<1x160x125xi32, #tpu.memory_space<hbm>> -> memref<160x125xi32, #tpu.memory_space<hbm>>
    %dma_start3A_19 = arith.constant 0 : i32
    %dma_start3A_20 = arith.constant 0 : i32
    %dma_start3A_21 = tpu.memref_slice %arg4[%arg1, %dma_start3A_19, %dma_start3A_20] : memref<16x160x125xi32, #tpu.memory_space<hbm>> -> memref<1x160x125xi32, #tpu.memory_space<hbm>>
    %dma_start3A_22 = tpu.memref_squeeze %dma_start3A_21 : memref<1x160x125xi32, #tpu.memory_space<hbm>> -> memref<160x125xi32, #tpu.memory_space<hbm>>
    tpu.enqueue_dma source(%dma_start3A_22 : memref<160x125xi32, #tpu.memory_space<hbm>>) target(%arg8 : memref<160x125xi32, #tpu.memory_space<vmem>>) target_semaphore(%arg26 : memref<!tpu.dma_semaphore, #tpu.memory_space<semaphore_mem>>)
    %dma_wait3A = arith.constant 0 : i32
    %dma_wait3A_23 = arith.constant 0 : i32
    %dma_wait3A_24 = tpu.memref_slice %arg3[%arg0, %arg1, %dma_wait3A, %dma_wait3A_23] : memref<2x16x160x125xi32, #tpu.memory_space<hbm>> -> memref<1x1x160x125xi32, #tpu.memory_space<hbm>>
    %dma_wait3A_25 = tpu.memref_squeeze %dma_wait3A_24 : memref<1x1x160x125xi32, #tpu.memory_space<hbm>> -> memref<160x125xi32, #tpu.memory_space<hbm>>
    %dma_wait3A_26 = arith.constant 0 : i32
    %dma_wait3A_27 = arith.constant 0 : i32
    %dma_wait3A_28 = tpu.memref_slice %arg3[%arg0, %arg1, %dma_wait3A_26, %dma_wait3A_27] : memref<2x16x160x125xi32, #tpu.memory_space<hbm>> -> memref<1x1x160x125xi32, #tpu.memory_space<hbm>>
    %dma_wait3A_29 = tpu.memref_squeeze %dma_wait3A_28 : memref<1x1x160x125xi32, #tpu.memory_space<hbm>> -> memref<160x125xi32, #tpu.memory_space<hbm>>
    tpu.wait_dma2 semaphore(%arg27 : memref<!tpu.dma_semaphore, #tpu.memory_space<semaphore_mem>>) src(%dma_wait3A_29 : memref<160x125xi32, #tpu.memory_space<hbm>>) dst(%arg7 : memref<160x125xi32, #tpu.memory_space<vmem>>)
    %dma_start3A_30 = arith.constant 0 : i32
    %dma_start3A_31 = arith.constant 0 : i32
    %dma_start3A_32 = tpu.memref_slice %arg7[%dma_start3A_30, %dma_start3A_31] : memref<160x125xi32, #tpu.memory_space<vmem>> -> memref<1x125xi32, #tpu.memory_space<vmem>>
    %dma_start3A_33 = tpu.memref_squeeze %dma_start3A_32 : memref<1x125xi32, #tpu.memory_space<vmem>> -> memref<125xi32, #tpu.memory_space<vmem>>
    %dma_start3A_34 = arith.constant 0 : i32
    %dma_start3A_35 = arith.constant 0 : i32
    %dma_start3A_36 = tpu.memref_slice %arg2[%dma_start3A_34, %dma_start3A_35] : memref<20000x64xf32, #tpu.memory_space<hbm>> -> memref<20000x64xf32, #tpu.memory_space<hbm>>
    tpu.enqueue_indirect_dma source(%dma_start3A_36 : memref<20000x64xf32, #tpu.memory_space<hbm>>) target(%arg10 : memref<125x64xf32, #tpu.memory_space<vmem>>) offsets(%dma_start3A_33 : memref<125xi32, #tpu.memory_space<vmem>>) semaphore(%arg17 : memref<!tpu.dma_semaphore, #tpu.memory_space<semaphore_mem>>)
    %dma_start3A_37 = arith.constant 1 : i32
    %dma_start3A_38 = arith.constant 0 : i32
    %dma_start3A_39 = tpu.memref_slice %arg7[%dma_start3A_37, %dma_start3A_38] : memref<160x125xi32, #tpu.memory_space<vmem>> -> memref<1x125xi32, #tpu.memory_space<vmem>>
    %dma_start3A_40 = tpu.memref_squeeze %dma_start3A_39 : memref<1x125xi32, #tpu.memory_space<vmem>> -> memref<125xi32, #tpu.memory_space<vmem>>
    %dma_start3A_41 = arith.constant 0 : i32
    %dma_start3A_42 = arith.constant 0 : i32
    %dma_start3A_43 = tpu.memref_slice %arg2[%dma_start3A_41, %dma_start3A_42] : memref<20000x64xf32, #tpu.memory_space<hbm>> -> memref<20000x64xf32, #tpu.memory_space<hbm>>
    tpu.enqueue_indirect_dma source(%dma_start3A_43 : memref<20000x64xf32, #tpu.memory_space<hbm>>) target(%arg11 : memref<125x64xf32, #tpu.memory_space<vmem>>) offsets(%dma_start3A_40 : memref<125xi32, #tpu.memory_space<vmem>>) semaphore(%arg18 : memref<!tpu.dma_semaphore, #tpu.memory_space<semaphore_mem>>)
    %dma_start3A_44 = arith.constant 2 : i32
    %dma_start3A_45 = arith.constant 0 : i32
    %dma_start3A_46 = tpu.memref_slice %arg7[%dma_start3A_44, %dma_start3A_45] : memref<160x125xi32, #tpu.memory_space<vmem>> -> memref<1x125xi32, #tpu.memory_space<vmem>>
    %dma_start3A_47 = tpu.memref_squeeze %dma_start3A_46 : memref<1x125xi32, #tpu.memory_space<vmem>> -> memref<125xi32, #tpu.memory_space<vmem>>
    %dma_start3A_48 = arith.constant 0 : i32
    %dma_start3A_49 = arith.constant 0 : i32
    %dma_start3A_50 = tpu.memref_slice %arg2[%dma_start3A_48, %dma_start3A_49] : memref<20000x64xf32, #tpu.memory_space<hbm>> -> memref<20000x64xf32, #tpu.memory_space<hbm>>
    tpu.enqueue_indirect_dma source(%dma_start3A_50 : memref<20000x64xf32, #tpu.memory_space<hbm>>) target(%arg12 : memref<125x64xf32, #tpu.memory_space<vmem>>) offsets(%dma_start3A_47 : memref<125xi32, #tpu.memory_space<vmem>>) semaphore(%arg19 : memref<!tpu.dma_semaphore, #tpu.memory_space<semaphore_mem>>)
    %dma_start3A_51 = arith.constant 3 : i32
    %dma_start3A_52 = arith.constant 0 : i32
    %dma_start3A_53 = tpu.memref_slice %arg7[%dma_start3A_51, %dma_start3A_52] : memref<160x125xi32, #tpu.memory_space<vmem>> -> memref<1x125xi32, #tpu.memory_space<vmem>>
    %dma_start3A_54 = tpu.memref_squeeze %dma_start3A_53 : memref<1x125xi32, #tpu.memory_space<vmem>> -> memref<125xi32, #tpu.memory_space<vmem>>
    %dma_start3A_55 = arith.constant 0 : i32
    %dma_start3A_56 = arith.constant 0 : i32
    %dma_start3A_57 = tpu.memref_slice %arg2[%dma_start3A_55, %dma_start3A_56] : memref<20000x64xf32, #tpu.memory_space<hbm>> -> memref<20000x64xf32, #tpu.memory_space<hbm>>
    tpu.enqueue_indirect_dma source(%dma_start3A_57 : memref<20000x64xf32, #tpu.memory_space<hbm>>) target(%arg13 : memref<125x64xf32, #tpu.memory_space<vmem>>) offsets(%dma_start3A_54 : memref<125xi32, #tpu.memory_space<vmem>>) semaphore(%arg20 : memref<!tpu.dma_semaphore, #tpu.memory_space<semaphore_mem>>)
    %mul3A = arith.constant 625 : i32
    %mul3A_58 = arith.muli %arg1, %mul3A : i32
    %dma_wait3A_59 = arith.constant 0 : i32
    %dma_wait3A_60 = arith.constant 0 : i32
    %dma_wait3A_61 = tpu.memref_slice %arg5[%arg0, %arg1, %dma_wait3A_59, %dma_wait3A_60] : memref<2x16x5x125xi32, #tpu.memory_space<hbm>> -> memref<1x1x5x125xi32, #tpu.memory_space<hbm>>
    %dma_wait3A_62 = tpu.memref_squeeze %dma_wait3A_61 : memref<1x1x5x125xi32, #tpu.memory_space<hbm>> -> memref<5x125xi32, #tpu.memory_space<hbm>>
    %dma_wait3A_63 = arith.constant 0 : i32
    %dma_wait3A_64 = arith.constant 0 : i32
    %dma_wait3A_65 = tpu.memref_slice %arg5[%arg0, %arg1, %dma_wait3A_63, %dma_wait3A_64] : memref<2x16x5x125xi32, #tpu.memory_space<hbm>> -> memref<1x1x5x125xi32, #tpu.memory_space<hbm>>
    %dma_wait3A_66 = tpu.memref_squeeze %dma_wait3A_65 : memref<1x1x5x125xi32, #tpu.memory_space<hbm>> -> memref<5x125xi32, #tpu.memory_space<hbm>>
    tpu.wait_dma2 semaphore(%arg28 : memref<!tpu.dma_semaphore, #tpu.memory_space<semaphore_mem>>) src(%dma_wait3A_66 : memref<5x125xi32, #tpu.memory_space<hbm>>) dst(%arg9 : memref<5x125xi32, #tpu.memory_space<vmem>>)
    %dma_start3A_67 = arith.constant 0 : i32
    %dma_start3A_68 = arith.constant 0 : i32
    %dma_start3A_69 = tpu.memref_slice %arg9[%dma_start3A_67, %dma_start3A_68] : memref<5x125xi32, #tpu.memory_space<vmem>> -> memref<1x125xi32, #tpu.memory_space<vmem>>
    %dma_start3A_70 = tpu.memref_squeeze %dma_start3A_69 : memref<1x125xi32, #tpu.memory_space<vmem>> -> memref<125xi32, #tpu.memory_space<vmem>>
    %dma_start3A_71 = arith.constant 0 : i32
    %dma_start3A_72 = arith.constant 0 : i32
    %dma_start3A_73 = tpu.memref_slice %arg2[%dma_start3A_71, %dma_start3A_72] : memref<20000x64xf32, #tpu.memory_space<hbm>> -> memref<20000x64xf32, #tpu.memory_space<hbm>>
    tpu.enqueue_indirect_dma source(%dma_start3A_73 : memref<20000x64xf32, #tpu.memory_space<hbm>>) target(%arg14 : memref<125x64xf32, #tpu.memory_space<vmem>>) offsets(%dma_start3A_70 : memref<125xi32, #tpu.memory_space<vmem>>) semaphore(%arg21 : memref<!tpu.dma_semaphore, #tpu.memory_space<semaphore_mem>>)
    %dma_start3A_74 = arith.constant 1 : i32
    %dma_start3A_75 = arith.constant 0 : i32
    %dma_start3A_76 = tpu.memref_slice %arg9[%dma_start3A_74, %dma_start3A_75] : memref<5x125xi32, #tpu.memory_space<vmem>> -> memref<1x125xi32, #tpu.memory_space<vmem>>
    %dma_start3A_77 = tpu.memref_squeeze %dma_start3A_76 : memref<1x125xi32, #tpu.memory_space<vmem>> -> memref<125xi32, #tpu.memory_space<vmem>>
    %dma_start3A_78 = arith.constant 0 : i32
    %dma_start3A_79 = arith.constant 0 : i32
    %dma_start3A_80 = tpu.memref_slice %arg2[%dma_start3A_78, %dma_start3A_79] : memref<20000x64xf32, #tpu.memory_space<hbm>> -> memref<20000x64xf32, #tpu.memory_space<hbm>>
    tpu.enqueue_indirect_dma source(%dma_start3A_80 : memref<20000x64xf32, #tpu.memory_space<hbm>>) target(%arg15 : memref<125x64xf32, #tpu.memory_space<vmem>>) offsets(%dma_start3A_77 : memref<125xi32, #tpu.memory_space<vmem>>) semaphore(%arg22 : memref<!tpu.dma_semaphore, #tpu.memory_space<semaphore_mem>>)
    %dma_wait3A_81 = arith.constant 0 : i32
    %dma_wait3A_82 = arith.constant 0 : i32
    %dma_wait3A_83 = tpu.memref_slice %arg9[%dma_wait3A_81, %dma_wait3A_82] : memref<5x125xi32, #tpu.memory_space<vmem>> -> memref<1x125xi32, #tpu.memory_space<vmem>>
    %dma_wait3A_84 = tpu.memref_squeeze %dma_wait3A_83 : memref<1x125xi32, #tpu.memory_space<vmem>> -> memref<125xi32, #tpu.memory_space<vmem>>
    %dma_wait3A_85 = arith.constant 0 : i32
    %dma_wait3A_86 = arith.constant 0 : i32
    %dma_wait3A_87 = tpu.memref_slice %arg2[%dma_wait3A_85, %dma_wait3A_86] : memref<20000x64xf32, #tpu.memory_space<hbm>> -> memref<20000x64xf32, #tpu.memory_space<hbm>>
    tpu.wait_indirect_dma semaphore(%arg21 : memref<!tpu.dma_semaphore, #tpu.memory_space<semaphore_mem>>) src(%dma_wait3A_87 : memref<20000x64xf32, #tpu.memory_space<hbm>>) dst(%arg14 : memref<125x64xf32, #tpu.memory_space<vmem>>)
    %add3A = arith.constant 0 : i32
    %add3A_88 = arith.addi %mul3A_58, %add3A : i32
    "tpu.region"() ({
      %run_scoped3A = tpu.sem_alloc : memref<!tpu.dma_semaphore, #tpu.memory_space<semaphore_mem>>
      %dma_start3A_492 = arith.constant 0 : i32
      %dma_start3A_493 = tpu.memref_slice %arg16[%add3A_88, %dma_start3A_492] : memref<10000x64xf32, #tpu.memory_space<vmem_shared>> -> memref<125x64xf32, #tpu.memory_space<vmem_shared>>
      %dma_start3A_494 = arith.constant 0 : i32
      %dma_start3A_495 = tpu.memref_slice %arg16[%add3A_88, %dma_start3A_494] : memref<10000x64xf32, #tpu.memory_space<vmem_shared>> -> memref<125x64xf32, #tpu.memory_space<vmem_shared>>
      tpu.enqueue_dma source(%arg14 : memref<125x64xf32, #tpu.memory_space<vmem>>) target(%dma_start3A_495 : memref<125x64xf32, #tpu.memory_space<vmem_shared>>) target_semaphore(%run_scoped3A : memref<!tpu.dma_semaphore, #tpu.memory_space<semaphore_mem>>)
      %dma_wait3A_496 = arith.constant 0 : i32
      %dma_wait3A_497 = tpu.memref_slice %arg16[%add3A_88, %dma_wait3A_496] : memref<10000x64xf32, #tpu.memory_space<vmem_shared>> -> memref<125x64xf32, #tpu.memory_space<vmem_shared>>
      %dma_wait3A_498 = arith.constant 0 : i32
      %dma_wait3A_499 = tpu.memref_slice %arg16[%add3A_88, %dma_wait3A_498] : memref<10000x64xf32, #tpu.memory_space<vmem_shared>> -> memref<125x64xf32, #tpu.memory_space<vmem_shared>>
      tpu.wait_dma2 semaphore(%run_scoped3A : memref<!tpu.dma_semaphore, #tpu.memory_space<semaphore_mem>>) src(%arg14 : memref<125x64xf32, #tpu.memory_space<vmem>>) dst(%dma_wait3A_499 : memref<125x64xf32, #tpu.memory_space<vmem_shared>>)
      tpu.yield
    }) : () -> ()
    %dma_start3A_89 = arith.constant 2 : i32
    %dma_start3A_90 = arith.constant 0 : i32
    %dma_start3A_91 = tpu.memref_slice %arg9[%dma_start3A_89, %dma_start3A_90] : memref<5x125xi32, #tpu.memory_space<vmem>> -> memref<1x125xi32, #tpu.memory_space<vmem>>
    %dma_start3A_92 = tpu.memref_squeeze %dma_start3A_91 : memref<1x125xi32, #tpu.memory_space<vmem>> -> memref<125xi32, #tpu.memory_space<vmem>>
    %dma_start3A_93 = arith.constant 0 : i32
    %dma_start3A_94 = arith.constant 0 : i32
    %dma_start3A_95 = tpu.memref_slice %arg2[%dma_start3A_93, %dma_start3A_94] : memref<20000x64xf32, #tpu.memory_space<hbm>> -> memref<20000x64xf32, #tpu.memory_space<hbm>>
    tpu.enqueue_indirect_dma source(%dma_start3A_95 : memref<20000x64xf32, #tpu.memory_space<hbm>>) target(%arg14 : memref<125x64xf32, #tpu.memory_space<vmem>>) offsets(%dma_start3A_92 : memref<125xi32, #tpu.memory_space<vmem>>) semaphore(%arg21 : memref<!tpu.dma_semaphore, #tpu.memory_space<semaphore_mem>>)
    %dma_wait3A_96 = arith.constant 1 : i32
    %dma_wait3A_97 = arith.constant 0 : i32
    %dma_wait3A_98 = tpu.memref_slice %arg9[%dma_wait3A_96, %dma_wait3A_97] : memref<5x125xi32, #tpu.memory_space<vmem>> -> memref<1x125xi32, #tpu.memory_space<vmem>>
    %dma_wait3A_99 = tpu.memref_squeeze %dma_wait3A_98 : memref<1x125xi32, #tpu.memory_space<vmem>> -> memref<125xi32, #tpu.memory_space<vmem>>
    %dma_wait3A_100 = arith.constant 0 : i32
    %dma_wait3A_101 = arith.constant 0 : i32
    %dma_wait3A_102 = tpu.memref_slice %arg2[%dma_wait3A_100, %dma_wait3A_101] : memref<20000x64xf32, #tpu.memory_space<hbm>> -> memref<20000x64xf32, #tpu.memory_space<hbm>>
    tpu.wait_indirect_dma semaphore(%arg22 : memref<!tpu.dma_semaphore, #tpu.memory_space<semaphore_mem>>) src(%dma_wait3A_102 : memref<20000x64xf32, #tpu.memory_space<hbm>>) dst(%arg15 : memref<125x64xf32, #tpu.memory_space<vmem>>)
    %add3A_103 = arith.constant 125 : i32
    %add3A_104 = arith.addi %mul3A_58, %add3A_103 : i32
    "tpu.region"() ({
      %run_scoped3A = tpu.sem_alloc : memref<!tpu.dma_semaphore, #tpu.memory_space<semaphore_mem>>
      %dma_start3A_492 = arith.constant 0 : i32
      %dma_start3A_493 = tpu.memref_slice %arg16[%add3A_104, %dma_start3A_492] : memref<10000x64xf32, #tpu.memory_space<vmem_shared>> -> memref<125x64xf32, #tpu.memory_space<vmem_shared>>
      %dma_start3A_494 = arith.constant 0 : i32
      %dma_start3A_495 = tpu.memref_slice %arg16[%add3A_104, %dma_start3A_494] : memref<10000x64xf32, #tpu.memory_space<vmem_shared>> -> memref<125x64xf32, #tpu.memory_space<vmem_shared>>
      tpu.enqueue_dma source(%arg15 : memref<125x64xf32, #tpu.memory_space<vmem>>) target(%dma_start3A_495 : memref<125x64xf32, #tpu.memory_space<vmem_shared>>) target_semaphore(%run_scoped3A : memref<!tpu.dma_semaphore, #tpu.memory_space<semaphore_mem>>)
      %dma_wait3A_496 = arith.constant 0 : i32
      %dma_wait3A_497 = tpu.memref_slice %arg16[%add3A_104, %dma_wait3A_496] : memref<10000x64xf32, #tpu.memory_space<vmem_shared>> -> memref<125x64xf32, #tpu.memory_space<vmem_shared>>
      %dma_wait3A_498 = arith.constant 0 : i32
      %dma_wait3A_499 = tpu.memref_slice %arg16[%add3A_104, %dma_wait3A_498] : memref<10000x64xf32, #tpu.memory_space<vmem_shared>> -> memref<125x64xf32, #tpu.memory_space<vmem_shared>>
      tpu.wait_dma2 semaphore(%run_scoped3A : memref<!tpu.dma_semaphore, #tpu.memory_space<semaphore_mem>>) src(%arg15 : memref<125x64xf32, #tpu.memory_space<vmem>>) dst(%dma_wait3A_499 : memref<125x64xf32, #tpu.memory_space<vmem_shared>>)
      tpu.yield
    }) : () -> ()
    %dma_start3A_105 = arith.constant 3 : i32
    %dma_start3A_106 = arith.constant 0 : i32
    %dma_start3A_107 = tpu.memref_slice %arg9[%dma_start3A_105, %dma_start3A_106] : memref<5x125xi32, #tpu.memory_space<vmem>> -> memref<1x125xi32, #tpu.memory_space<vmem>>
    %dma_start3A_108 = tpu.memref_squeeze %dma_start3A_107 : memref<1x125xi32, #tpu.memory_space<vmem>> -> memref<125xi32, #tpu.memory_space<vmem>>
    %dma_start3A_109 = arith.constant 0 : i32
    %dma_start3A_110 = arith.constant 0 : i32
    %dma_start3A_111 = tpu.memref_slice %arg2[%dma_start3A_109, %dma_start3A_110] : memref<20000x64xf32, #tpu.memory_space<hbm>> -> memref<20000x64xf32, #tpu.memory_space<hbm>>
    tpu.enqueue_indirect_dma source(%dma_start3A_111 : memref<20000x64xf32, #tpu.memory_space<hbm>>) target(%arg15 : memref<125x64xf32, #tpu.memory_space<vmem>>) offsets(%dma_start3A_108 : memref<125xi32, #tpu.memory_space<vmem>>) semaphore(%arg22 : memref<!tpu.dma_semaphore, #tpu.memory_space<semaphore_mem>>)
    %dma_wait3A_112 = arith.constant 2 : i32
    %dma_wait3A_113 = arith.constant 0 : i32
    %dma_wait3A_114 = tpu.memref_slice %arg9[%dma_wait3A_112, %dma_wait3A_113] : memref<5x125xi32, #tpu.memory_space<vmem>> -> memref<1x125xi32, #tpu.memory_space<vmem>>
    %dma_wait3A_115 = tpu.memref_squeeze %dma_wait3A_114 : memref<1x125xi32, #tpu.memory_space<vmem>> -> memref<125xi32, #tpu.memory_space<vmem>>
    %dma_wait3A_116 = arith.constant 0 : i32
    %dma_wait3A_117 = arith.constant 0 : i32
    %dma_wait3A_118 = tpu.memref_slice %arg2[%dma_wait3A_116, %dma_wait3A_117] : memref<20000x64xf32, #tpu.memory_space<hbm>> -> memref<20000x64xf32, #tpu.memory_space<hbm>>
    tpu.wait_indirect_dma semaphore(%arg21 : memref<!tpu.dma_semaphore, #tpu.memory_space<semaphore_mem>>) src(%dma_wait3A_118 : memref<20000x64xf32, #tpu.memory_space<hbm>>) dst(%arg14 : memref<125x64xf32, #tpu.memory_space<vmem>>)
    %add3A_119 = arith.constant 250 : i32
    %add3A_120 = arith.addi %mul3A_58, %add3A_119 : i32
    "tpu.region"() ({
      %run_scoped3A = tpu.sem_alloc : memref<!tpu.dma_semaphore, #tpu.memory_space<semaphore_mem>>
      %dma_start3A_492 = arith.constant 0 : i32
      %dma_start3A_493 = tpu.memref_slice %arg16[%add3A_120, %dma_start3A_492] : memref<10000x64xf32, #tpu.memory_space<vmem_shared>> -> memref<125x64xf32, #tpu.memory_space<vmem_shared>>
      %dma_start3A_494 = arith.constant 0 : i32
      %dma_start3A_495 = tpu.memref_slice %arg16[%add3A_120, %dma_start3A_494] : memref<10000x64xf32, #tpu.memory_space<vmem_shared>> -> memref<125x64xf32, #tpu.memory_space<vmem_shared>>
      tpu.enqueue_dma source(%arg14 : memref<125x64xf32, #tpu.memory_space<vmem>>) target(%dma_start3A_495 : memref<125x64xf32, #tpu.memory_space<vmem_shared>>) target_semaphore(%run_scoped3A : memref<!tpu.dma_semaphore, #tpu.memory_space<semaphore_mem>>)
      %dma_wait3A_496 = arith.constant 0 : i32
      %dma_wait3A_497 = tpu.memref_slice %arg16[%add3A_120, %dma_wait3A_496] : memref<10000x64xf32, #tpu.memory_space<vmem_shared>> -> memref<125x64xf32, #tpu.memory_space<vmem_shared>>
      %dma_wait3A_498 = arith.constant 0 : i32
      %dma_wait3A_499 = tpu.memref_slice %arg16[%add3A_120, %dma_wait3A_498] : memref<10000x64xf32, #tpu.memory_space<vmem_shared>> -> memref<125x64xf32, #tpu.memory_space<vmem_shared>>
      tpu.wait_dma2 semaphore(%run_scoped3A : memref<!tpu.dma_semaphore, #tpu.memory_space<semaphore_mem>>) src(%arg14 : memref<125x64xf32, #tpu.memory_space<vmem>>) dst(%dma_wait3A_499 : memref<125x64xf32, #tpu.memory_space<vmem_shared>>)
      tpu.yield
    }) : () -> ()
    %dma_start3A_121 = arith.constant 4 : i32
    %dma_start3A_122 = arith.constant 0 : i32
    %dma_start3A_123 = tpu.memref_slice %arg9[%dma_start3A_121, %dma_start3A_122] : memref<5x125xi32, #tpu.memory_space<vmem>> -> memref<1x125xi32, #tpu.memory_space<vmem>>
    %dma_start3A_124 = tpu.memref_squeeze %dma_start3A_123 : memref<1x125xi32, #tpu.memory_space<vmem>> -> memref<125xi32, #tpu.memory_space<vmem>>
    %dma_start3A_125 = arith.constant 0 : i32
    %dma_start3A_126 = arith.constant 0 : i32
    %dma_start3A_127 = tpu.memref_slice %arg2[%dma_start3A_125, %dma_start3A_126] : memref<20000x64xf32, #tpu.memory_space<hbm>> -> memref<20000x64xf32, #tpu.memory_space<hbm>>
    tpu.enqueue_indirect_dma source(%dma_start3A_127 : memref<20000x64xf32, #tpu.memory_space<hbm>>) target(%arg14 : memref<125x64xf32, #tpu.memory_space<vmem>>) offsets(%dma_start3A_124 : memref<125xi32, #tpu.memory_space<vmem>>) semaphore(%arg21 : memref<!tpu.dma_semaphore, #tpu.memory_space<semaphore_mem>>)
    %dma_wait3A_128 = arith.constant 3 : i32
    %dma_wait3A_129 = arith.constant 0 : i32
    %dma_wait3A_130 = tpu.memref_slice %arg9[%dma_wait3A_128, %dma_wait3A_129] : memref<5x125xi32, #tpu.memory_space<vmem>> -> memref<1x125xi32, #tpu.memory_space<vmem>>
    %dma_wait3A_131 = tpu.memref_squeeze %dma_wait3A_130 : memref<1x125xi32, #tpu.memory_space<vmem>> -> memref<125xi32, #tpu.memory_space<vmem>>
    %dma_wait3A_132 = arith.constant 0 : i32
    %dma_wait3A_133 = arith.constant 0 : i32
    %dma_wait3A_134 = tpu.memref_slice %arg2[%dma_wait3A_132, %dma_wait3A_133] : memref<20000x64xf32, #tpu.memory_space<hbm>> -> memref<20000x64xf32, #tpu.memory_space<hbm>>
    tpu.wait_indirect_dma semaphore(%arg22 : memref<!tpu.dma_semaphore, #tpu.memory_space<semaphore_mem>>) src(%dma_wait3A_134 : memref<20000x64xf32, #tpu.memory_space<hbm>>) dst(%arg15 : memref<125x64xf32, #tpu.memory_space<vmem>>)
    %add3A_135 = arith.constant 375 : i32
    %add3A_136 = arith.addi %mul3A_58, %add3A_135 : i32
    "tpu.region"() ({
      %run_scoped3A = tpu.sem_alloc : memref<!tpu.dma_semaphore, #tpu.memory_space<semaphore_mem>>
      %dma_start3A_492 = arith.constant 0 : i32
      %dma_start3A_493 = tpu.memref_slice %arg16[%add3A_136, %dma_start3A_492] : memref<10000x64xf32, #tpu.memory_space<vmem_shared>> -> memref<125x64xf32, #tpu.memory_space<vmem_shared>>
      %dma_start3A_494 = arith.constant 0 : i32
      %dma_start3A_495 = tpu.memref_slice %arg16[%add3A_136, %dma_start3A_494] : memref<10000x64xf32, #tpu.memory_space<vmem_shared>> -> memref<125x64xf32, #tpu.memory_space<vmem_shared>>
      tpu.enqueue_dma source(%arg15 : memref<125x64xf32, #tpu.memory_space<vmem>>) target(%dma_start3A_495 : memref<125x64xf32, #tpu.memory_space<vmem_shared>>) target_semaphore(%run_scoped3A : memref<!tpu.dma_semaphore, #tpu.memory_space<semaphore_mem>>)
      %dma_wait3A_496 = arith.constant 0 : i32
      %dma_wait3A_497 = tpu.memref_slice %arg16[%add3A_136, %dma_wait3A_496] : memref<10000x64xf32, #tpu.memory_space<vmem_shared>> -> memref<125x64xf32, #tpu.memory_space<vmem_shared>>
      %dma_wait3A_498 = arith.constant 0 : i32
      %dma_wait3A_499 = tpu.memref_slice %arg16[%add3A_136, %dma_wait3A_498] : memref<10000x64xf32, #tpu.memory_space<vmem_shared>> -> memref<125x64xf32, #tpu.memory_space<vmem_shared>>
      tpu.wait_dma2 semaphore(%run_scoped3A : memref<!tpu.dma_semaphore, #tpu.memory_space<semaphore_mem>>) src(%arg15 : memref<125x64xf32, #tpu.memory_space<vmem>>) dst(%dma_wait3A_499 : memref<125x64xf32, #tpu.memory_space<vmem_shared>>)
      tpu.yield
    }) : () -> ()
    %dma_wait3A_137 = arith.constant 4 : i32
    %dma_wait3A_138 = arith.constant 0 : i32
    %dma_wait3A_139 = tpu.memref_slice %arg9[%dma_wait3A_137, %dma_wait3A_138] : memref<5x125xi32, #tpu.memory_space<vmem>> -> memref<1x125xi32, #tpu.memory_space<vmem>>
    %dma_wait3A_140 = tpu.memref_squeeze %dma_wait3A_139 : memref<1x125xi32, #tpu.memory_space<vmem>> -> memref<125xi32, #tpu.memory_space<vmem>>
    %dma_wait3A_141 = arith.constant 0 : i32
    %dma_wait3A_142 = arith.constant 0 : i32
    %dma_wait3A_143 = tpu.memref_slice %arg2[%dma_wait3A_141, %dma_wait3A_142] : memref<20000x64xf32, #tpu.memory_space<hbm>> -> memref<20000x64xf32, #tpu.memory_space<hbm>>
    tpu.wait_indirect_dma semaphore(%arg21 : memref<!tpu.dma_semaphore, #tpu.memory_space<semaphore_mem>>) src(%dma_wait3A_143 : memref<20000x64xf32, #tpu.memory_space<hbm>>) dst(%arg14 : memref<125x64xf32, #tpu.memory_space<vmem>>)
    %add3A_144 = arith.constant 500 : i32
    %add3A_145 = arith.addi %mul3A_58, %add3A_144 : i32
    "tpu.region"() ({
      %run_scoped3A = tpu.sem_alloc : memref<!tpu.dma_semaphore, #tpu.memory_space<semaphore_mem>>
      %dma_start3A_492 = arith.constant 0 : i32
      %dma_start3A_493 = tpu.memref_slice %arg16[%add3A_145, %dma_start3A_492] : memref<10000x64xf32, #tpu.memory_space<vmem_shared>> -> memref<125x64xf32, #tpu.memory_space<vmem_shared>>
      %dma_start3A_494 = arith.constant 0 : i32
      %dma_start3A_495 = tpu.memref_slice %arg16[%add3A_145, %dma_start3A_494] : memref<10000x64xf32, #tpu.memory_space<vmem_shared>> -> memref<125x64xf32, #tpu.memory_space<vmem_shared>>
      tpu.enqueue_dma source(%arg14 : memref<125x64xf32, #tpu.memory_space<vmem>>) target(%dma_start3A_495 : memref<125x64xf32, #tpu.memory_space<vmem_shared>>) target_semaphore(%run_scoped3A : memref<!tpu.dma_semaphore, #tpu.memory_space<semaphore_mem>>)
      %dma_wait3A_496 = arith.constant 0 : i32
      %dma_wait3A_497 = tpu.memref_slice %arg16[%add3A_145, %dma_wait3A_496] : memref<10000x64xf32, #tpu.memory_space<vmem_shared>> -> memref<125x64xf32, #tpu.memory_space<vmem_shared>>
      %dma_wait3A_498 = arith.constant 0 : i32
      %dma_wait3A_499 = tpu.memref_slice %arg16[%add3A_145, %dma_wait3A_498] : memref<10000x64xf32, #tpu.memory_space<vmem_shared>> -> memref<125x64xf32, #tpu.memory_space<vmem_shared>>
      tpu.wait_dma2 semaphore(%run_scoped3A : memref<!tpu.dma_semaphore, #tpu.memory_space<semaphore_mem>>) src(%arg14 : memref<125x64xf32, #tpu.memory_space<vmem>>) dst(%dma_wait3A_499 : memref<125x64xf32, #tpu.memory_space<vmem_shared>>)
      tpu.yield
    }) : () -> ()
    %dma_wait3A_146 = arith.constant 0 : i32
    %dma_wait3A_147 = arith.constant 0 : i32
    %dma_wait3A_148 = tpu.memref_slice %arg4[%arg1, %dma_wait3A_146, %dma_wait3A_147] : memref<16x160x125xi32, #tpu.memory_space<hbm>> -> memref<1x160x125xi32, #tpu.memory_space<hbm>>
    %dma_wait3A_149 = tpu.memref_squeeze %dma_wait3A_148 : memref<1x160x125xi32, #tpu.memory_space<hbm>> -> memref<160x125xi32, #tpu.memory_space<hbm>>
    %dma_wait3A_150 = arith.constant 0 : i32
    %dma_wait3A_151 = arith.constant 0 : i32
    %dma_wait3A_152 = tpu.memref_slice %arg4[%arg1, %dma_wait3A_150, %dma_wait3A_151] : memref<16x160x125xi32, #tpu.memory_space<hbm>> -> memref<1x160x125xi32, #tpu.memory_space<hbm>>
    %dma_wait3A_153 = tpu.memref_squeeze %dma_wait3A_152 : memref<1x160x125xi32, #tpu.memory_space<hbm>> -> memref<160x125xi32, #tpu.memory_space<hbm>>
    tpu.wait_dma2 semaphore(%arg26 : memref<!tpu.dma_semaphore, #tpu.memory_space<semaphore_mem>>) src(%dma_wait3A_153 : memref<160x125xi32, #tpu.memory_space<hbm>>) dst(%arg8 : memref<160x125xi32, #tpu.memory_space<vmem>>)
    %barrier3A = arith.constant 0 : index
    tpu.barrier barrier_id(%barrier3A)
    %dma_wait3A_154 = arith.constant 0 : i32
    %dma_wait3A_155 = arith.constant 0 : i32
    %dma_wait3A_156 = tpu.memref_slice %arg7[%dma_wait3A_154, %dma_wait3A_155] : memref<160x125xi32, #tpu.memory_space<vmem>> -> memref<1x125xi32, #tpu.memory_space<vmem>>
    %dma_wait3A_157 = tpu.memref_squeeze %dma_wait3A_156 : memref<1x125xi32, #tpu.memory_space<vmem>> -> memref<125xi32, #tpu.memory_space<vmem>>
    %dma_wait3A_158 = arith.constant 0 : i32
    %dma_wait3A_159 = arith.constant 0 : i32
    %dma_wait3A_160 = tpu.memref_slice %arg2[%dma_wait3A_158, %dma_wait3A_159] : memref<20000x64xf32, #tpu.memory_space<hbm>> -> memref<20000x64xf32, #tpu.memory_space<hbm>>
    tpu.wait_indirect_dma semaphore(%arg17 : memref<!tpu.dma_semaphore, #tpu.memory_space<semaphore_mem>>) src(%dma_wait3A_160 : memref<20000x64xf32, #tpu.memory_space<hbm>>) dst(%arg10 : memref<125x64xf32, #tpu.memory_space<vmem>>)
    %dma_start3A_161 = arith.constant 0 : i32
    %dma_start3A_162 = arith.constant 0 : i32
    %dma_start3A_163 = tpu.memref_slice %arg8[%dma_start3A_161, %dma_start3A_162] : memref<160x125xi32, #tpu.memory_space<vmem>> -> memref<1x125xi32, #tpu.memory_space<vmem>>
    %dma_start3A_164 = tpu.memref_squeeze %dma_start3A_163 : memref<1x125xi32, #tpu.memory_space<vmem>> -> memref<125xi32, #tpu.memory_space<vmem>>
    %dma_start3A_165 = arith.constant 0 : i32
    %dma_start3A_166 = arith.constant 0 : i32
    %dma_start3A_167 = tpu.memref_slice %arg16[%dma_start3A_165, %dma_start3A_166] : memref<10000x64xf32, #tpu.memory_space<vmem_shared>> -> memref<10000x64xf32, #tpu.memory_space<vmem_shared>>
    tpu.enqueue_indirect_dma source(%arg10 : memref<125x64xf32, #tpu.memory_space<vmem>>) target(%dma_start3A_167 : memref<10000x64xf32, #tpu.memory_space<vmem_shared>>) offsets(%dma_start3A_164 : memref<125xi32, #tpu.memory_space<vmem>>) semaphore(%arg23 : memref<!tpu.dma_semaphore, #tpu.memory_space<semaphore_mem>>) {add = true}
    %dma_start3A_168 = arith.constant 4 : i32
    %dma_start3A_169 = arith.constant 0 : i32
    %dma_start3A_170 = tpu.memref_slice %arg7[%dma_start3A_168, %dma_start3A_169] : memref<160x125xi32, #tpu.memory_space<vmem>> -> memref<1x125xi32, #tpu.memory_space<vmem>>
    %dma_start3A_171 = tpu.memref_squeeze %dma_start3A_170 : memref<1x125xi32, #tpu.memory_space<vmem>> -> memref<125xi32, #tpu.memory_space<vmem>>
    %dma_start3A_172 = arith.constant 0 : i32
    %dma_start3A_173 = arith.constant 0 : i32
    %dma_start3A_174 = tpu.memref_slice %arg2[%dma_start3A_172, %dma_start3A_173] : memref<20000x64xf32, #tpu.memory_space<hbm>> -> memref<20000x64xf32, #tpu.memory_space<hbm>>
    tpu.enqueue_indirect_dma source(%dma_start3A_174 : memref<20000x64xf32, #tpu.memory_space<hbm>>) target(%arg14 : memref<125x64xf32, #tpu.memory_space<vmem>>) offsets(%dma_start3A_171 : memref<125xi32, #tpu.memory_space<vmem>>) semaphore(%arg21 : memref<!tpu.dma_semaphore, #tpu.memory_space<semaphore_mem>>)
    %dma_wait3A_175 = arith.constant 1 : i32
    %dma_wait3A_176 = arith.constant 0 : i32
    %dma_wait3A_177 = tpu.memref_slice %arg7[%dma_wait3A_175, %dma_wait3A_176] : memref<160x125xi32, #tpu.memory_space<vmem>> -> memref<1x125xi32, #tpu.memory_space<vmem>>
    %dma_wait3A_178 = tpu.memref_squeeze %dma_wait3A_177 : memref<1x125xi32, #tpu.memory_space<vmem>> -> memref<125xi32, #tpu.memory_space<vmem>>
    %dma_wait3A_179 = arith.constant 0 : i32
    %dma_wait3A_180 = arith.constant 0 : i32
    %dma_wait3A_181 = tpu.memref_slice %arg2[%dma_wait3A_179, %dma_wait3A_180] : memref<20000x64xf32, #tpu.memory_space<hbm>> -> memref<20000x64xf32, #tpu.memory_space<hbm>>
    tpu.wait_indirect_dma semaphore(%arg18 : memref<!tpu.dma_semaphore, #tpu.memory_space<semaphore_mem>>) src(%dma_wait3A_181 : memref<20000x64xf32, #tpu.memory_space<hbm>>) dst(%arg11 : memref<125x64xf32, #tpu.memory_space<vmem>>)
    %dma_start3A_182 = arith.constant 1 : i32
    %dma_start3A_183 = arith.constant 0 : i32
    %dma_start3A_184 = tpu.memref_slice %arg8[%dma_start3A_182, %dma_start3A_183] : memref<160x125xi32, #tpu.memory_space<vmem>> -> memref<1x125xi32, #tpu.memory_space<vmem>>
    %dma_start3A_185 = tpu.memref_squeeze %dma_start3A_184 : memref<1x125xi32, #tpu.memory_space<vmem>> -> memref<125xi32, #tpu.memory_space<vmem>>
    %dma_start3A_186 = arith.constant 0 : i32
    %dma_start3A_187 = arith.constant 0 : i32
    %dma_start3A_188 = tpu.memref_slice %arg16[%dma_start3A_186, %dma_start3A_187] : memref<10000x64xf32, #tpu.memory_space<vmem_shared>> -> memref<10000x64xf32, #tpu.memory_space<vmem_shared>>
    tpu.enqueue_indirect_dma source(%arg11 : memref<125x64xf32, #tpu.memory_space<vmem>>) target(%dma_start3A_188 : memref<10000x64xf32, #tpu.memory_space<vmem_shared>>) offsets(%dma_start3A_185 : memref<125xi32, #tpu.memory_space<vmem>>) semaphore(%arg24 : memref<!tpu.dma_semaphore, #tpu.memory_space<semaphore_mem>>) {add = true}
    %dma_start3A_189 = arith.constant 5 : i32
    %dma_start3A_190 = arith.constant 0 : i32
    %dma_start3A_191 = tpu.memref_slice %arg7[%dma_start3A_189, %dma_start3A_190] : memref<160x125xi32, #tpu.memory_space<vmem>> -> memref<1x125xi32, #tpu.memory_space<vmem>>
    %dma_start3A_192 = tpu.memref_squeeze %dma_start3A_191 : memref<1x125xi32, #tpu.memory_space<vmem>> -> memref<125xi32, #tpu.memory_space<vmem>>
    %dma_start3A_193 = arith.constant 0 : i32
    %dma_start3A_194 = arith.constant 0 : i32
    %dma_start3A_195 = tpu.memref_slice %arg2[%dma_start3A_193, %dma_start3A_194] : memref<20000x64xf32, #tpu.memory_space<hbm>> -> memref<20000x64xf32, #tpu.memory_space<hbm>>
    tpu.enqueue_indirect_dma source(%dma_start3A_195 : memref<20000x64xf32, #tpu.memory_space<hbm>>) target(%arg15 : memref<125x64xf32, #tpu.memory_space<vmem>>) offsets(%dma_start3A_192 : memref<125xi32, #tpu.memory_space<vmem>>) semaphore(%arg22 : memref<!tpu.dma_semaphore, #tpu.memory_space<semaphore_mem>>)
    %dma_wait3A_196 = arith.constant 0 : i32
    %dma_wait3A_197 = arith.constant 0 : i32
    %dma_wait3A_198 = tpu.memref_slice %arg8[%dma_wait3A_196, %dma_wait3A_197] : memref<160x125xi32, #tpu.memory_space<vmem>> -> memref<1x125xi32, #tpu.memory_space<vmem>>
    %dma_wait3A_199 = tpu.memref_squeeze %dma_wait3A_198 : memref<1x125xi32, #tpu.memory_space<vmem>> -> memref<125xi32, #tpu.memory_space<vmem>>
    %dma_wait3A_200 = arith.constant 0 : i32
    %dma_wait3A_201 = arith.constant 0 : i32
    %dma_wait3A_202 = tpu.memref_slice %arg16[%dma_wait3A_200, %dma_wait3A_201] : memref<10000x64xf32, #tpu.memory_space<vmem_shared>> -> memref<10000x64xf32, #tpu.memory_space<vmem_shared>>
    tpu.wait_indirect_dma semaphore(%arg23 : memref<!tpu.dma_semaphore, #tpu.memory_space<semaphore_mem>>) src(%arg10 : memref<125x64xf32, #tpu.memory_space<vmem>>) dst(%dma_wait3A_202 : memref<10000x64xf32, #tpu.memory_space<vmem_shared>>)
    %dma_start3A_203 = arith.constant 6 : i32
    %dma_start3A_204 = arith.constant 0 : i32
    %dma_start3A_205 = tpu.memref_slice %arg7[%dma_start3A_203, %dma_start3A_204] : memref<160x125xi32, #tpu.memory_space<vmem>> -> memref<1x125xi32, #tpu.memory_space<vmem>>
    %dma_start3A_206 = tpu.memref_squeeze %dma_start3A_205 : memref<1x125xi32, #tpu.memory_space<vmem>> -> memref<125xi32, #tpu.memory_space<vmem>>
    %dma_start3A_207 = arith.constant 0 : i32
    %dma_start3A_208 = arith.constant 0 : i32
    %dma_start3A_209 = tpu.memref_slice %arg2[%dma_start3A_207, %dma_start3A_208] : memref<20000x64xf32, #tpu.memory_space<hbm>> -> memref<20000x64xf32, #tpu.memory_space<hbm>>
    tpu.enqueue_indirect_dma source(%dma_start3A_209 : memref<20000x64xf32, #tpu.memory_space<hbm>>) target(%arg10 : memref<125x64xf32, #tpu.memory_space<vmem>>) offsets(%dma_start3A_206 : memref<125xi32, #tpu.memory_space<vmem>>) semaphore(%arg17 : memref<!tpu.dma_semaphore, #tpu.memory_space<semaphore_mem>>)
    %dma_wait3A_210 = arith.constant 2 : i32
    %dma_wait3A_211 = arith.constant 0 : i32
    %dma_wait3A_212 = tpu.memref_slice %arg7[%dma_wait3A_210, %dma_wait3A_211] : memref<160x125xi32, #tpu.memory_space<vmem>> -> memref<1x125xi32, #tpu.memory_space<vmem>>
    %dma_wait3A_213 = tpu.memref_squeeze %dma_wait3A_212 : memref<1x125xi32, #tpu.memory_space<vmem>> -> memref<125xi32, #tpu.memory_space<vmem>>
    %dma_wait3A_214 = arith.constant 0 : i32
    %dma_wait3A_215 = arith.constant 0 : i32
    %dma_wait3A_216 = tpu.memref_slice %arg2[%dma_wait3A_214, %dma_wait3A_215] : memref<20000x64xf32, #tpu.memory_space<hbm>> -> memref<20000x64xf32, #tpu.memory_space<hbm>>
    tpu.wait_indirect_dma semaphore(%arg19 : memref<!tpu.dma_semaphore, #tpu.memory_space<semaphore_mem>>) src(%dma_wait3A_216 : memref<20000x64xf32, #tpu.memory_space<hbm>>) dst(%arg12 : memref<125x64xf32, #tpu.memory_space<vmem>>)
    %dma_start3A_217 = arith.constant 2 : i32
    %dma_start3A_218 = arith.constant 0 : i32
    %dma_start3A_219 = tpu.memref_slice %arg8[%dma_start3A_217, %dma_start3A_218] : memref<160x125xi32, #tpu.memory_space<vmem>> -> memref<1x125xi32, #tpu.memory_space<vmem>>
    %dma_start3A_220 = tpu.memref_squeeze %dma_start3A_219 : memref<1x125xi32, #tpu.memory_space<vmem>> -> memref<125xi32, #tpu.memory_space<vmem>>
    %dma_start3A_221 = arith.constant 0 : i32
    %dma_start3A_222 = arith.constant 0 : i32
    %dma_start3A_223 = tpu.memref_slice %arg16[%dma_start3A_221, %dma_start3A_222] : memref<10000x64xf32, #tpu.memory_space<vmem_shared>> -> memref<10000x64xf32, #tpu.memory_space<vmem_shared>>
    tpu.enqueue_indirect_dma source(%arg12 : memref<125x64xf32, #tpu.memory_space<vmem>>) target(%dma_start3A_223 : memref<10000x64xf32, #tpu.memory_space<vmem_shared>>) offsets(%dma_start3A_220 : memref<125xi32, #tpu.memory_space<vmem>>) semaphore(%arg25 : memref<!tpu.dma_semaphore, #tpu.memory_space<semaphore_mem>>) {add = true}
    %dma_wait3A_224 = arith.constant 1 : i32
    %dma_wait3A_225 = arith.constant 0 : i32
    %dma_wait3A_226 = tpu.memref_slice %arg8[%dma_wait3A_224, %dma_wait3A_225] : memref<160x125xi32, #tpu.memory_space<vmem>> -> memref<1x125xi32, #tpu.memory_space<vmem>>
    %dma_wait3A_227 = tpu.memref_squeeze %dma_wait3A_226 : memref<1x125xi32, #tpu.memory_space<vmem>> -> memref<125xi32, #tpu.memory_space<vmem>>
    %dma_wait3A_228 = arith.constant 0 : i32
    %dma_wait3A_229 = arith.constant 0 : i32
    %dma_wait3A_230 = tpu.memref_slice %arg16[%dma_wait3A_228, %dma_wait3A_229] : memref<10000x64xf32, #tpu.memory_space<vmem_shared>> -> memref<10000x64xf32, #tpu.memory_space<vmem_shared>>
    tpu.wait_indirect_dma semaphore(%arg24 : memref<!tpu.dma_semaphore, #tpu.memory_space<semaphore_mem>>) src(%arg11 : memref<125x64xf32, #tpu.memory_space<vmem>>) dst(%dma_wait3A_230 : memref<10000x64xf32, #tpu.memory_space<vmem_shared>>)
    %dma_start3A_231 = arith.constant 7 : i32
    %dma_start3A_232 = arith.constant 0 : i32
    %dma_start3A_233 = tpu.memref_slice %arg7[%dma_start3A_231, %dma_start3A_232] : memref<160x125xi32, #tpu.memory_space<vmem>> -> memref<1x125xi32, #tpu.memory_space<vmem>>
    %dma_start3A_234 = tpu.memref_squeeze %dma_start3A_233 : memref<1x125xi32, #tpu.memory_space<vmem>> -> memref<125xi32, #tpu.memory_space<vmem>>
    %dma_start3A_235 = arith.constant 0 : i32
    %dma_start3A_236 = arith.constant 0 : i32
    %dma_start3A_237 = tpu.memref_slice %arg2[%dma_start3A_235, %dma_start3A_236] : memref<20000x64xf32, #tpu.memory_space<hbm>> -> memref<20000x64xf32, #tpu.memory_space<hbm>>
    tpu.enqueue_indirect_dma source(%dma_start3A_237 : memref<20000x64xf32, #tpu.memory_space<hbm>>) target(%arg11 : memref<125x64xf32, #tpu.memory_space<vmem>>) offsets(%dma_start3A_234 : memref<125xi32, #tpu.memory_space<vmem>>) semaphore(%arg18 : memref<!tpu.dma_semaphore, #tpu.memory_space<semaphore_mem>>)
    %dma_wait3A_238 = arith.constant 3 : i32
    %dma_wait3A_239 = arith.constant 0 : i32
    %dma_wait3A_240 = tpu.memref_slice %arg7[%dma_wait3A_238, %dma_wait3A_239] : memref<160x125xi32, #tpu.memory_space<vmem>> -> memref<1x125xi32, #tpu.memory_space<vmem>>
    %dma_wait3A_241 = tpu.memref_squeeze %dma_wait3A_240 : memref<1x125xi32, #tpu.memory_space<vmem>> -> memref<125xi32, #tpu.memory_space<vmem>>
    %dma_wait3A_242 = arith.constant 0 : i32
    %dma_wait3A_243 = arith.constant 0 : i32
    %dma_wait3A_244 = tpu.memref_slice %arg2[%dma_wait3A_242, %dma_wait3A_243] : memref<20000x64xf32, #tpu.memory_space<hbm>> -> memref<20000x64xf32, #tpu.memory_space<hbm>>
    tpu.wait_indirect_dma semaphore(%arg20 : memref<!tpu.dma_semaphore, #tpu.memory_space<semaphore_mem>>) src(%dma_wait3A_244 : memref<20000x64xf32, #tpu.memory_space<hbm>>) dst(%arg13 : memref<125x64xf32, #tpu.memory_space<vmem>>)
    %dma_start3A_245 = arith.constant 3 : i32
    %dma_start3A_246 = arith.constant 0 : i32
    %dma_start3A_247 = tpu.memref_slice %arg8[%dma_start3A_245, %dma_start3A_246] : memref<160x125xi32, #tpu.memory_space<vmem>> -> memref<1x125xi32, #tpu.memory_space<vmem>>
    %dma_start3A_248 = tpu.memref_squeeze %dma_start3A_247 : memref<1x125xi32, #tpu.memory_space<vmem>> -> memref<125xi32, #tpu.memory_space<vmem>>
    %dma_start3A_249 = arith.constant 0 : i32
    %dma_start3A_250 = arith.constant 0 : i32
    %dma_start3A_251 = tpu.memref_slice %arg16[%dma_start3A_249, %dma_start3A_250] : memref<10000x64xf32, #tpu.memory_space<vmem_shared>> -> memref<10000x64xf32, #tpu.memory_space<vmem_shared>>
    tpu.enqueue_indirect_dma source(%arg13 : memref<125x64xf32, #tpu.memory_space<vmem>>) target(%dma_start3A_251 : memref<10000x64xf32, #tpu.memory_space<vmem_shared>>) offsets(%dma_start3A_248 : memref<125xi32, #tpu.memory_space<vmem>>) semaphore(%arg26 : memref<!tpu.dma_semaphore, #tpu.memory_space<semaphore_mem>>) {add = true}
    %dma_wait3A_252 = arith.constant 2 : i32
    %dma_wait3A_253 = arith.constant 0 : i32
    %dma_wait3A_254 = tpu.memref_slice %arg8[%dma_wait3A_252, %dma_wait3A_253] : memref<160x125xi32, #tpu.memory_space<vmem>> -> memref<1x125xi32, #tpu.memory_space<vmem>>
    %dma_wait3A_255 = tpu.memref_squeeze %dma_wait3A_254 : memref<1x125xi32, #tpu.memory_space<vmem>> -> memref<125xi32, #tpu.memory_space<vmem>>
    %dma_wait3A_256 = arith.constant 0 : i32
    %dma_wait3A_257 = arith.constant 0 : i32
    %dma_wait3A_258 = tpu.memref_slice %arg16[%dma_wait3A_256, %dma_wait3A_257] : memref<10000x64xf32, #tpu.memory_space<vmem_shared>> -> memref<10000x64xf32, #tpu.memory_space<vmem_shared>>
    tpu.wait_indirect_dma semaphore(%arg25 : memref<!tpu.dma_semaphore, #tpu.memory_space<semaphore_mem>>) src(%arg12 : memref<125x64xf32, #tpu.memory_space<vmem>>) dst(%dma_wait3A_258 : memref<10000x64xf32, #tpu.memory_space<vmem_shared>>)
    %dma_start3A_259 = arith.constant 8 : i32
    %dma_start3A_260 = arith.constant 0 : i32
    %dma_start3A_261 = tpu.memref_slice %arg7[%dma_start3A_259, %dma_start3A_260] : memref<160x125xi32, #tpu.memory_space<vmem>> -> memref<1x125xi32, #tpu.memory_space<vmem>>
    %dma_start3A_262 = tpu.memref_squeeze %dma_start3A_261 : memref<1x125xi32, #tpu.memory_space<vmem>> -> memref<125xi32, #tpu.memory_space<vmem>>
    %dma_start3A_263 = arith.constant 0 : i32
    %dma_start3A_264 = arith.constant 0 : i32
    %dma_start3A_265 = tpu.memref_slice %arg2[%dma_start3A_263, %dma_start3A_264] : memref<20000x64xf32, #tpu.memory_space<hbm>> -> memref<20000x64xf32, #tpu.memory_space<hbm>>
    tpu.enqueue_indirect_dma source(%dma_start3A_265 : memref<20000x64xf32, #tpu.memory_space<hbm>>) target(%arg12 : memref<125x64xf32, #tpu.memory_space<vmem>>) offsets(%dma_start3A_262 : memref<125xi32, #tpu.memory_space<vmem>>) semaphore(%arg19 : memref<!tpu.dma_semaphore, #tpu.memory_space<semaphore_mem>>)
    %dma_wait3A_266 = arith.constant 4 : i32
    %dma_wait3A_267 = arith.constant 0 : i32
    %dma_wait3A_268 = tpu.memref_slice %arg7[%dma_wait3A_266, %dma_wait3A_267] : memref<160x125xi32, #tpu.memory_space<vmem>> -> memref<1x125xi32, #tpu.memory_space<vmem>>
    %dma_wait3A_269 = tpu.memref_squeeze %dma_wait3A_268 : memref<1x125xi32, #tpu.memory_space<vmem>> -> memref<125xi32, #tpu.memory_space<vmem>>
    %dma_wait3A_270 = arith.constant 0 : i32
    %dma_wait3A_271 = arith.constant 0 : i32
    %dma_wait3A_272 = tpu.memref_slice %arg2[%dma_wait3A_270, %dma_wait3A_271] : memref<20000x64xf32, #tpu.memory_space<hbm>> -> memref<20000x64xf32, #tpu.memory_space<hbm>>
    tpu.wait_indirect_dma semaphore(%arg21 : memref<!tpu.dma_semaphore, #tpu.memory_space<semaphore_mem>>) src(%dma_wait3A_272 : memref<20000x64xf32, #tpu.memory_space<hbm>>) dst(%arg14 : memref<125x64xf32, #tpu.memory_space<vmem>>)
    %dma_start3A_273 = arith.constant 4 : i32
    %dma_start3A_274 = arith.constant 0 : i32
    %dma_start3A_275 = tpu.memref_slice %arg8[%dma_start3A_273, %dma_start3A_274] : memref<160x125xi32, #tpu.memory_space<vmem>> -> memref<1x125xi32, #tpu.memory_space<vmem>>
    %dma_start3A_276 = tpu.memref_squeeze %dma_start3A_275 : memref<1x125xi32, #tpu.memory_space<vmem>> -> memref<125xi32, #tpu.memory_space<vmem>>
    %dma_start3A_277 = arith.constant 0 : i32
    %dma_start3A_278 = arith.constant 0 : i32
    %dma_start3A_279 = tpu.memref_slice %arg16[%dma_start3A_277, %dma_start3A_278] : memref<10000x64xf32, #tpu.memory_space<vmem_shared>> -> memref<10000x64xf32, #tpu.memory_space<vmem_shared>>
    tpu.enqueue_indirect_dma source(%arg14 : memref<125x64xf32, #tpu.memory_space<vmem>>) target(%dma_start3A_279 : memref<10000x64xf32, #tpu.memory_space<vmem_shared>>) offsets(%dma_start3A_276 : memref<125xi32, #tpu.memory_space<vmem>>) semaphore(%arg27 : memref<!tpu.dma_semaphore, #tpu.memory_space<semaphore_mem>>) {add = true}
    %dma_wait3A_280 = arith.constant 3 : i32
    %dma_wait3A_281 = arith.constant 0 : i32
    %dma_wait3A_282 = tpu.memref_slice %arg8[%dma_wait3A_280, %dma_wait3A_281] : memref<160x125xi32, #tpu.memory_space<vmem>> -> memref<1x125xi32, #tpu.memory_space<vmem>>
    %dma_wait3A_283 = tpu.memref_squeeze %dma_wait3A_282 : memref<1x125xi32, #tpu.memory_space<vmem>> -> memref<125xi32, #tpu.memory_space<vmem>>
    %dma_wait3A_284 = arith.constant 0 : i32
    %dma_wait3A_285 = arith.constant 0 : i32
    %dma_wait3A_286 = tpu.memref_slice %arg16[%dma_wait3A_284, %dma_wait3A_285] : memref<10000x64xf32, #tpu.memory_space<vmem_shared>> -> memref<10000x64xf32, #tpu.memory_space<vmem_shared>>
    tpu.wait_indirect_dma semaphore(%arg26 : memref<!tpu.dma_semaphore, #tpu.memory_space<semaphore_mem>>) src(%arg13 : memref<125x64xf32, #tpu.memory_space<vmem>>) dst(%dma_wait3A_286 : memref<10000x64xf32, #tpu.memory_space<vmem_shared>>)
    %dma_start3A_287 = arith.constant 9 : i32
    %dma_start3A_288 = arith.constant 0 : i32
    %dma_start3A_289 = tpu.memref_slice %arg7[%dma_start3A_287, %dma_start3A_288] : memref<160x125xi32, #tpu.memory_space<vmem>> -> memref<1x125xi32, #tpu.memory_space<vmem>>
    %dma_start3A_290 = tpu.memref_squeeze %dma_start3A_289 : memref<1x125xi32, #tpu.memory_space<vmem>> -> memref<125xi32, #tpu.memory_space<vmem>>
    %dma_start3A_291 = arith.constant 0 : i32
    %dma_start3A_292 = arith.constant 0 : i32
    %dma_start3A_293 = tpu.memref_slice %arg2[%dma_start3A_291, %dma_start3A_292] : memref<20000x64xf32, #tpu.memory_space<hbm>> -> memref<20000x64xf32, #tpu.memory_space<hbm>>
    tpu.enqueue_indirect_dma source(%dma_start3A_293 : memref<20000x64xf32, #tpu.memory_space<hbm>>) target(%arg13 : memref<125x64xf32, #tpu.memory_space<vmem>>) offsets(%dma_start3A_290 : memref<125xi32, #tpu.memory_space<vmem>>) semaphore(%arg20 : memref<!tpu.dma_semaphore, #tpu.memory_space<semaphore_mem>>)
    %dma_wait3A_294 = arith.constant 5 : i32
    %dma_wait3A_295 = arith.constant 0 : i32
    %dma_wait3A_296 = tpu.memref_slice %arg7[%dma_wait3A_294, %dma_wait3A_295] : memref<160x125xi32, #tpu.memory_space<vmem>> -> memref<1x125xi32, #tpu.memory_space<vmem>>
    %dma_wait3A_297 = tpu.memref_squeeze %dma_wait3A_296 : memref<1x125xi32, #tpu.memory_space<vmem>> -> memref<125xi32, #tpu.memory_space<vmem>>
    %dma_wait3A_298 = arith.constant 0 : i32
    %dma_wait3A_299 = arith.constant 0 : i32
    %dma_wait3A_300 = tpu.memref_slice %arg2[%dma_wait3A_298, %dma_wait3A_299] : memref<20000x64xf32, #tpu.memory_space<hbm>> -> memref<20000x64xf32, #tpu.memory_space<hbm>>
    tpu.wait_indirect_dma semaphore(%arg22 : memref<!tpu.dma_semaphore, #tpu.memory_space<semaphore_mem>>) src(%dma_wait3A_300 : memref<20000x64xf32, #tpu.memory_space<hbm>>) dst(%arg15 : memref<125x64xf32, #tpu.memory_space<vmem>>)
    %dma_start3A_301 = arith.constant 5 : i32
    %dma_start3A_302 = arith.constant 0 : i32
    %dma_start3A_303 = tpu.memref_slice %arg8[%dma_start3A_301, %dma_start3A_302] : memref<160x125xi32, #tpu.memory_space<vmem>> -> memref<1x125xi32, #tpu.memory_space<vmem>>
    %dma_start3A_304 = tpu.memref_squeeze %dma_start3A_303 : memref<1x125xi32, #tpu.memory_space<vmem>> -> memref<125xi32, #tpu.memory_space<vmem>>
    %dma_start3A_305 = arith.constant 0 : i32
    %dma_start3A_306 = arith.constant 0 : i32
    %dma_start3A_307 = tpu.memref_slice %arg16[%dma_start3A_305, %dma_start3A_306] : memref<10000x64xf32, #tpu.memory_space<vmem_shared>> -> memref<10000x64xf32, #tpu.memory_space<vmem_shared>>
    tpu.enqueue_indirect_dma source(%arg15 : memref<125x64xf32, #tpu.memory_space<vmem>>) target(%dma_start3A_307 : memref<10000x64xf32, #tpu.memory_space<vmem_shared>>) offsets(%dma_start3A_304 : memref<125xi32, #tpu.memory_space<vmem>>) semaphore(%arg28 : memref<!tpu.dma_semaphore, #tpu.memory_space<semaphore_mem>>) {add = true}
    %scan3A = arith.constant 0 : i32
    %scan3A_308 = arith.constant 0 : i32
    %scan3A_309 = arith.constant 25 : i32
    %scan3A_310 = arith.addi %scan3A_308, %scan3A_309 : i32
    %scan3A_311 = arith.constant 1 : i32
    scf.for %scan3A_492 = %scan3A_308 to %scan3A_310 step %scan3A_311  : i32 {
      %mul3A_493 = arith.constant 6 : i32
      %mul3A_494 = arith.muli %mul3A_493, %scan3A_492 : i32
      %add3A_495 = arith.constant 6 : i32
      %add3A_496 = arith.addi %add3A_495, %mul3A_494 : i32
      %add3A_497 = arith.constant 0 : i32
      %add3A_498 = arith.addi %add3A_496, %add3A_497 : i32
      %sub3A = arith.constant 2 : i32
      %sub3A_499 = arith.subi %add3A_498, %sub3A : i32
      %dma_wait3A_500 = arith.constant 0 : i32
      %dma_wait3A_501 = tpu.memref_slice %arg8[%sub3A_499, %dma_wait3A_500] : memref<160x125xi32, #tpu.memory_space<vmem>> -> memref<1x125xi32, #tpu.memory_space<vmem>>
      %dma_wait3A_502 = tpu.memref_squeeze %dma_wait3A_501 : memref<1x125xi32, #tpu.memory_space<vmem>> -> memref<125xi32, #tpu.memory_space<vmem>>
      %dma_wait3A_503 = arith.constant 0 : i32
      %dma_wait3A_504 = arith.constant 0 : i32
      %dma_wait3A_505 = tpu.memref_slice %arg16[%dma_wait3A_503, %dma_wait3A_504] : memref<10000x64xf32, #tpu.memory_space<vmem_shared>> -> memref<10000x64xf32, #tpu.memory_space<vmem_shared>>
      tpu.wait_indirect_dma semaphore(%arg27 : memref<!tpu.dma_semaphore, #tpu.memory_space<semaphore_mem>>) src(%arg14 : memref<125x64xf32, #tpu.memory_space<vmem>>) dst(%dma_wait3A_505 : memref<10000x64xf32, #tpu.memory_space<vmem_shared>>)
      %add3A_506 = arith.constant 4 : i32
      %add3A_507 = arith.addi %add3A_498, %add3A_506 : i32
      %dma_start3A_508 = arith.constant 0 : i32
      %dma_start3A_509 = tpu.memref_slice %arg7[%add3A_507, %dma_start3A_508] : memref<160x125xi32, #tpu.memory_space<vmem>> -> memref<1x125xi32, #tpu.memory_space<vmem>>
      %dma_start3A_510 = tpu.memref_squeeze %dma_start3A_509 : memref<1x125xi32, #tpu.memory_space<vmem>> -> memref<125xi32, #tpu.memory_space<vmem>>
      %dma_start3A_511 = arith.constant 0 : i32
      %dma_start3A_512 = arith.constant 0 : i32
      %dma_start3A_513 = tpu.memref_slice %arg2[%dma_start3A_511, %dma_start3A_512] : memref<20000x64xf32, #tpu.memory_space<hbm>> -> memref<20000x64xf32, #tpu.memory_space<hbm>>
      tpu.enqueue_indirect_dma source(%dma_start3A_513 : memref<20000x64xf32, #tpu.memory_space<hbm>>) target(%arg14 : memref<125x64xf32, #tpu.memory_space<vmem>>) offsets(%dma_start3A_510 : memref<125xi32, #tpu.memory_space<vmem>>) semaphore(%arg21 : memref<!tpu.dma_semaphore, #tpu.memory_space<semaphore_mem>>)
      %dma_wait3A_514 = arith.constant 0 : i32
      %dma_wait3A_515 = tpu.memref_slice %arg7[%add3A_498, %dma_wait3A_514] : memref<160x125xi32, #tpu.memory_space<vmem>> -> memref<1x125xi32, #tpu.memory_space<vmem>>
      %dma_wait3A_516 = tpu.memref_squeeze %dma_wait3A_515 : memref<1x125xi32, #tpu.memory_space<vmem>> -> memref<125xi32, #tpu.memory_space<vmem>>
      %dma_wait3A_517 = arith.constant 0 : i32
      %dma_wait3A_518 = arith.constant 0 : i32
      %dma_wait3A_519 = tpu.memref_slice %arg2[%dma_wait3A_517, %dma_wait3A_518] : memref<20000x64xf32, #tpu.memory_space<hbm>> -> memref<20000x64xf32, #tpu.memory_space<hbm>>
      tpu.wait_indirect_dma semaphore(%arg17 : memref<!tpu.dma_semaphore, #tpu.memory_space<semaphore_mem>>) src(%dma_wait3A_519 : memref<20000x64xf32, #tpu.memory_space<hbm>>) dst(%arg10 : memref<125x64xf32, #tpu.memory_space<vmem>>)
      %dma_start3A_520 = arith.constant 0 : i32
      %dma_start3A_521 = tpu.memref_slice %arg8[%add3A_498, %dma_start3A_520] : memref<160x125xi32, #tpu.memory_space<vmem>> -> memref<1x125xi32, #tpu.memory_space<vmem>>
      %dma_start3A_522 = tpu.memref_squeeze %dma_start3A_521 : memref<1x125xi32, #tpu.memory_space<vmem>> -> memref<125xi32, #tpu.memory_space<vmem>>
      %dma_start3A_523 = arith.constant 0 : i32
      %dma_start3A_524 = arith.constant 0 : i32
      %dma_start3A_525 = tpu.memref_slice %arg16[%dma_start3A_523, %dma_start3A_524] : memref<10000x64xf32, #tpu.memory_space<vmem_shared>> -> memref<10000x64xf32, #tpu.memory_space<vmem_shared>>
      tpu.enqueue_indirect_dma source(%arg10 : memref<125x64xf32, #tpu.memory_space<vmem>>) target(%dma_start3A_525 : memref<10000x64xf32, #tpu.memory_space<vmem_shared>>) offsets(%dma_start3A_522 : memref<125xi32, #tpu.memory_space<vmem>>) semaphore(%arg23 : memref<!tpu.dma_semaphore, #tpu.memory_space<semaphore_mem>>) {add = true}
      %add3A_526 = arith.constant 1 : i32
      %add3A_527 = arith.addi %add3A_496, %add3A_526 : i32
      %sub3A_528 = arith.constant 2 : i32
      %sub3A_529 = arith.subi %add3A_527, %sub3A_528 : i32
      %dma_wait3A_530 = arith.constant 0 : i32
      %dma_wait3A_531 = tpu.memref_slice %arg8[%sub3A_529, %dma_wait3A_530] : memref<160x125xi32, #tpu.memory_space<vmem>> -> memref<1x125xi32, #tpu.memory_space<vmem>>
      %dma_wait3A_532 = tpu.memref_squeeze %dma_wait3A_531 : memref<1x125xi32, #tpu.memory_space<vmem>> -> memref<125xi32, #tpu.memory_space<vmem>>
      %dma_wait3A_533 = arith.constant 0 : i32
      %dma_wait3A_534 = arith.constant 0 : i32
      %dma_wait3A_535 = tpu.memref_slice %arg16[%dma_wait3A_533, %dma_wait3A_534] : memref<10000x64xf32, #tpu.memory_space<vmem_shared>> -> memref<10000x64xf32, #tpu.memory_space<vmem_shared>>
      tpu.wait_indirect_dma semaphore(%arg28 : memref<!tpu.dma_semaphore, #tpu.memory_space<semaphore_mem>>) src(%arg15 : memref<125x64xf32, #tpu.memory_space<vmem>>) dst(%dma_wait3A_535 : memref<10000x64xf32, #tpu.memory_space<vmem_shared>>)
      %add3A_536 = arith.constant 4 : i32
      %add3A_537 = arith.addi %add3A_527, %add3A_536 : i32
      %dma_start3A_538 = arith.constant 0 : i32
      %dma_start3A_539 = tpu.memref_slice %arg7[%add3A_537, %dma_start3A_538] : memref<160x125xi32, #tpu.memory_space<vmem>> -> memref<1x125xi32, #tpu.memory_space<vmem>>
      %dma_start3A_540 = tpu.memref_squeeze %dma_start3A_539 : memref<1x125xi32, #tpu.memory_space<vmem>> -> memref<125xi32, #tpu.memory_space<vmem>>
      %dma_start3A_541 = arith.constant 0 : i32
      %dma_start3A_542 = arith.constant 0 : i32
      %dma_start3A_543 = tpu.memref_slice %arg2[%dma_start3A_541, %dma_start3A_542] : memref<20000x64xf32, #tpu.memory_space<hbm>> -> memref<20000x64xf32, #tpu.memory_space<hbm>>
      tpu.enqueue_indirect_dma source(%dma_start3A_543 : memref<20000x64xf32, #tpu.memory_space<hbm>>) target(%arg15 : memref<125x64xf32, #tpu.memory_space<vmem>>) offsets(%dma_start3A_540 : memref<125xi32, #tpu.memory_space<vmem>>) semaphore(%arg22 : memref<!tpu.dma_semaphore, #tpu.memory_space<semaphore_mem>>)
      %dma_wait3A_544 = arith.constant 0 : i32
      %dma_wait3A_545 = tpu.memref_slice %arg7[%add3A_527, %dma_wait3A_544] : memref<160x125xi32, #tpu.memory_space<vmem>> -> memref<1x125xi32, #tpu.memory_space<vmem>>
      %dma_wait3A_546 = tpu.memref_squeeze %dma_wait3A_545 : memref<1x125xi32, #tpu.memory_space<vmem>> -> memref<125xi32, #tpu.memory_space<vmem>>
      %dma_wait3A_547 = arith.constant 0 : i32
      %dma_wait3A_548 = arith.constant 0 : i32
      %dma_wait3A_549 = tpu.memref_slice %arg2[%dma_wait3A_547, %dma_wait3A_548] : memref<20000x64xf32, #tpu.memory_space<hbm>> -> memref<20000x64xf32, #tpu.memory_space<hbm>>
      tpu.wait_indirect_dma semaphore(%arg18 : memref<!tpu.dma_semaphore, #tpu.memory_space<semaphore_mem>>) src(%dma_wait3A_549 : memref<20000x64xf32, #tpu.memory_space<hbm>>) dst(%arg11 : memref<125x64xf32, #tpu.memory_space<vmem>>)
      %dma_start3A_550 = arith.constant 0 : i32
      %dma_start3A_551 = tpu.memref_slice %arg8[%add3A_527, %dma_start3A_550] : memref<160x125xi32, #tpu.memory_space<vmem>> -> memref<1x125xi32, #tpu.memory_space<vmem>>
      %dma_start3A_552 = tpu.memref_squeeze %dma_start3A_551 : memref<1x125xi32, #tpu.memory_space<vmem>> -> memref<125xi32, #tpu.memory_space<vmem>>
      %dma_start3A_553 = arith.constant 0 : i32
      %dma_start3A_554 = arith.constant 0 : i32
      %dma_start3A_555 = tpu.memref_slice %arg16[%dma_start3A_553, %dma_start3A_554] : memref<10000x64xf32, #tpu.memory_space<vmem_shared>> -> memref<10000x64xf32, #tpu.memory_space<vmem_shared>>
      tpu.enqueue_indirect_dma source(%arg11 : memref<125x64xf32, #tpu.memory_space<vmem>>) target(%dma_start3A_555 : memref<10000x64xf32, #tpu.memory_space<vmem_shared>>) offsets(%dma_start3A_552 : memref<125xi32, #tpu.memory_space<vmem>>) semaphore(%arg24 : memref<!tpu.dma_semaphore, #tpu.memory_space<semaphore_mem>>) {add = true}
      %add3A_556 = arith.constant 2 : i32
      %add3A_557 = arith.addi %add3A_496, %add3A_556 : i32
      %sub3A_558 = arith.constant 2 : i32
      %sub3A_559 = arith.subi %add3A_557, %sub3A_558 : i32
      %dma_wait3A_560 = arith.constant 0 : i32
      %dma_wait3A_561 = tpu.memref_slice %arg8[%sub3A_559, %dma_wait3A_560] : memref<160x125xi32, #tpu.memory_space<vmem>> -> memref<1x125xi32, #tpu.memory_space<vmem>>
      %dma_wait3A_562 = tpu.memref_squeeze %dma_wait3A_561 : memref<1x125xi32, #tpu.memory_space<vmem>> -> memref<125xi32, #tpu.memory_space<vmem>>
      %dma_wait3A_563 = arith.constant 0 : i32
      %dma_wait3A_564 = arith.constant 0 : i32
      %dma_wait3A_565 = tpu.memref_slice %arg16[%dma_wait3A_563, %dma_wait3A_564] : memref<10000x64xf32, #tpu.memory_space<vmem_shared>> -> memref<10000x64xf32, #tpu.memory_space<vmem_shared>>
      tpu.wait_indirect_dma semaphore(%arg23 : memref<!tpu.dma_semaphore, #tpu.memory_space<semaphore_mem>>) src(%arg10 : memref<125x64xf32, #tpu.memory_space<vmem>>) dst(%dma_wait3A_565 : memref<10000x64xf32, #tpu.memory_space<vmem_shared>>)
      %add3A_566 = arith.constant 4 : i32
      %add3A_567 = arith.addi %add3A_557, %add3A_566 : i32
      %dma_start3A_568 = arith.constant 0 : i32
      %dma_start3A_569 = tpu.memref_slice %arg7[%add3A_567, %dma_start3A_568] : memref<160x125xi32, #tpu.memory_space<vmem>> -> memref<1x125xi32, #tpu.memory_space<vmem>>
      %dma_start3A_570 = tpu.memref_squeeze %dma_start3A_569 : memref<1x125xi32, #tpu.memory_space<vmem>> -> memref<125xi32, #tpu.memory_space<vmem>>
      %dma_start3A_571 = arith.constant 0 : i32
      %dma_start3A_572 = arith.constant 0 : i32
      %dma_start3A_573 = tpu.memref_slice %arg2[%dma_start3A_571, %dma_start3A_572] : memref<20000x64xf32, #tpu.memory_space<hbm>> -> memref<20000x64xf32, #tpu.memory_space<hbm>>
      tpu.enqueue_indirect_dma source(%dma_start3A_573 : memref<20000x64xf32, #tpu.memory_space<hbm>>) target(%arg10 : memref<125x64xf32, #tpu.memory_space<vmem>>) offsets(%dma_start3A_570 : memref<125xi32, #tpu.memory_space<vmem>>) semaphore(%arg17 : memref<!tpu.dma_semaphore, #tpu.memory_space<semaphore_mem>>)
      %dma_wait3A_574 = arith.constant 0 : i32
      %dma_wait3A_575 = tpu.memref_slice %arg7[%add3A_557, %dma_wait3A_574] : memref<160x125xi32, #tpu.memory_space<vmem>> -> memref<1x125xi32, #tpu.memory_space<vmem>>
      %dma_wait3A_576 = tpu.memref_squeeze %dma_wait3A_575 : memref<1x125xi32, #tpu.memory_space<vmem>> -> memref<125xi32, #tpu.memory_space<vmem>>
      %dma_wait3A_577 = arith.constant 0 : i32
      %dma_wait3A_578 = arith.constant 0 : i32
      %dma_wait3A_579 = tpu.memref_slice %arg2[%dma_wait3A_577, %dma_wait3A_578] : memref<20000x64xf32, #tpu.memory_space<hbm>> -> memref<20000x64xf32, #tpu.memory_space<hbm>>
      tpu.wait_indirect_dma semaphore(%arg19 : memref<!tpu.dma_semaphore, #tpu.memory_space<semaphore_mem>>) src(%dma_wait3A_579 : memref<20000x64xf32, #tpu.memory_space<hbm>>) dst(%arg12 : memref<125x64xf32, #tpu.memory_space<vmem>>)
      %dma_start3A_580 = arith.constant 0 : i32
      %dma_start3A_581 = tpu.memref_slice %arg8[%add3A_557, %dma_start3A_580] : memref<160x125xi32, #tpu.memory_space<vmem>> -> memref<1x125xi32, #tpu.memory_space<vmem>>
      %dma_start3A_582 = tpu.memref_squeeze %dma_start3A_581 : memref<1x125xi32, #tpu.memory_space<vmem>> -> memref<125xi32, #tpu.memory_space<vmem>>
      %dma_start3A_583 = arith.constant 0 : i32
      %dma_start3A_584 = arith.constant 0 : i32
      %dma_start3A_585 = tpu.memref_slice %arg16[%dma_start3A_583, %dma_start3A_584] : memref<10000x64xf32, #tpu.memory_space<vmem_shared>> -> memref<10000x64xf32, #tpu.memory_space<vmem_shared>>
      tpu.enqueue_indirect_dma source(%arg12 : memref<125x64xf32, #tpu.memory_space<vmem>>) target(%dma_start3A_585 : memref<10000x64xf32, #tpu.memory_space<vmem_shared>>) offsets(%dma_start3A_582 : memref<125xi32, #tpu.memory_space<vmem>>) semaphore(%arg25 : memref<!tpu.dma_semaphore, #tpu.memory_space<semaphore_mem>>) {add = true}
      %add3A_586 = arith.constant 3 : i32
      %add3A_587 = arith.addi %add3A_496, %add3A_586 : i32
      %sub3A_588 = arith.constant 2 : i32
      %sub3A_589 = arith.subi %add3A_587, %sub3A_588 : i32
      %dma_wait3A_590 = arith.constant 0 : i32
      %dma_wait3A_591 = tpu.memref_slice %arg8[%sub3A_589, %dma_wait3A_590] : memref<160x125xi32, #tpu.memory_space<vmem>> -> memref<1x125xi32, #tpu.memory_space<vmem>>
      %dma_wait3A_592 = tpu.memref_squeeze %dma_wait3A_591 : memref<1x125xi32, #tpu.memory_space<vmem>> -> memref<125xi32, #tpu.memory_space<vmem>>
      %dma_wait3A_593 = arith.constant 0 : i32
      %dma_wait3A_594 = arith.constant 0 : i32
      %dma_wait3A_595 = tpu.memref_slice %arg16[%dma_wait3A_593, %dma_wait3A_594] : memref<10000x64xf32, #tpu.memory_space<vmem_shared>> -> memref<10000x64xf32, #tpu.memory_space<vmem_shared>>
      tpu.wait_indirect_dma semaphore(%arg24 : memref<!tpu.dma_semaphore, #tpu.memory_space<semaphore_mem>>) src(%arg11 : memref<125x64xf32, #tpu.memory_space<vmem>>) dst(%dma_wait3A_595 : memref<10000x64xf32, #tpu.memory_space<vmem_shared>>)
      %add3A_596 = arith.constant 4 : i32
      %add3A_597 = arith.addi %add3A_587, %add3A_596 : i32
      %dma_start3A_598 = arith.constant 0 : i32
      %dma_start3A_599 = tpu.memref_slice %arg7[%add3A_597, %dma_start3A_598] : memref<160x125xi32, #tpu.memory_space<vmem>> -> memref<1x125xi32, #tpu.memory_space<vmem>>
      %dma_start3A_600 = tpu.memref_squeeze %dma_start3A_599 : memref<1x125xi32, #tpu.memory_space<vmem>> -> memref<125xi32, #tpu.memory_space<vmem>>
      %dma_start3A_601 = arith.constant 0 : i32
      %dma_start3A_602 = arith.constant 0 : i32
      %dma_start3A_603 = tpu.memref_slice %arg2[%dma_start3A_601, %dma_start3A_602] : memref<20000x64xf32, #tpu.memory_space<hbm>> -> memref<20000x64xf32, #tpu.memory_space<hbm>>
      tpu.enqueue_indirect_dma source(%dma_start3A_603 : memref<20000x64xf32, #tpu.memory_space<hbm>>) target(%arg11 : memref<125x64xf32, #tpu.memory_space<vmem>>) offsets(%dma_start3A_600 : memref<125xi32, #tpu.memory_space<vmem>>) semaphore(%arg18 : memref<!tpu.dma_semaphore, #tpu.memory_space<semaphore_mem>>)
      %dma_wait3A_604 = arith.constant 0 : i32
      %dma_wait3A_605 = tpu.memref_slice %arg7[%add3A_587, %dma_wait3A_604] : memref<160x125xi32, #tpu.memory_space<vmem>> -> memref<1x125xi32, #tpu.memory_space<vmem>>
      %dma_wait3A_606 = tpu.memref_squeeze %dma_wait3A_605 : memref<1x125xi32, #tpu.memory_space<vmem>> -> memref<125xi32, #tpu.memory_space<vmem>>
      %dma_wait3A_607 = arith.constant 0 : i32
      %dma_wait3A_608 = arith.constant 0 : i32
      %dma_wait3A_609 = tpu.memref_slice %arg2[%dma_wait3A_607, %dma_wait3A_608] : memref<20000x64xf32, #tpu.memory_space<hbm>> -> memref<20000x64xf32, #tpu.memory_space<hbm>>
      tpu.wait_indirect_dma semaphore(%arg20 : memref<!tpu.dma_semaphore, #tpu.memory_space<semaphore_mem>>) src(%dma_wait3A_609 : memref<20000x64xf32, #tpu.memory_space<hbm>>) dst(%arg13 : memref<125x64xf32, #tpu.memory_space<vmem>>)
      %dma_start3A_610 = arith.constant 0 : i32
      %dma_start3A_611 = tpu.memref_slice %arg8[%add3A_587, %dma_start3A_610] : memref<160x125xi32, #tpu.memory_space<vmem>> -> memref<1x125xi32, #tpu.memory_space<vmem>>
      %dma_start3A_612 = tpu.memref_squeeze %dma_start3A_611 : memref<1x125xi32, #tpu.memory_space<vmem>> -> memref<125xi32, #tpu.memory_space<vmem>>
      %dma_start3A_613 = arith.constant 0 : i32
      %dma_start3A_614 = arith.constant 0 : i32
      %dma_start3A_615 = tpu.memref_slice %arg16[%dma_start3A_613, %dma_start3A_614] : memref<10000x64xf32, #tpu.memory_space<vmem_shared>> -> memref<10000x64xf32, #tpu.memory_space<vmem_shared>>
      tpu.enqueue_indirect_dma source(%arg13 : memref<125x64xf32, #tpu.memory_space<vmem>>) target(%dma_start3A_615 : memref<10000x64xf32, #tpu.memory_space<vmem_shared>>) offsets(%dma_start3A_612 : memref<125xi32, #tpu.memory_space<vmem>>) semaphore(%arg26 : memref<!tpu.dma_semaphore, #tpu.memory_space<semaphore_mem>>) {add = true}
      %add3A_616 = arith.constant 4 : i32
      %add3A_617 = arith.addi %add3A_496, %add3A_616 : i32
      %sub3A_618 = arith.constant 2 : i32
      %sub3A_619 = arith.subi %add3A_617, %sub3A_618 : i32
      %dma_wait3A_620 = arith.constant 0 : i32
      %dma_wait3A_621 = tpu.memref_slice %arg8[%sub3A_619, %dma_wait3A_620] : memref<160x125xi32, #tpu.memory_space<vmem>> -> memref<1x125xi32, #tpu.memory_space<vmem>>
      %dma_wait3A_622 = tpu.memref_squeeze %dma_wait3A_621 : memref<1x125xi32, #tpu.memory_space<vmem>> -> memref<125xi32, #tpu.memory_space<vmem>>
      %dma_wait3A_623 = arith.constant 0 : i32
      %dma_wait3A_624 = arith.constant 0 : i32
      %dma_wait3A_625 = tpu.memref_slice %arg16[%dma_wait3A_623, %dma_wait3A_624] : memref<10000x64xf32, #tpu.memory_space<vmem_shared>> -> memref<10000x64xf32, #tpu.memory_space<vmem_shared>>
      tpu.wait_indirect_dma semaphore(%arg25 : memref<!tpu.dma_semaphore, #tpu.memory_space<semaphore_mem>>) src(%arg12 : memref<125x64xf32, #tpu.memory_space<vmem>>) dst(%dma_wait3A_625 : memref<10000x64xf32, #tpu.memory_space<vmem_shared>>)
      %add3A_626 = arith.constant 4 : i32
      %add3A_627 = arith.addi %add3A_617, %add3A_626 : i32
      %dma_start3A_628 = arith.constant 0 : i32
      %dma_start3A_629 = tpu.memref_slice %arg7[%add3A_627, %dma_start3A_628] : memref<160x125xi32, #tpu.memory_space<vmem>> -> memref<1x125xi32, #tpu.memory_space<vmem>>
      %dma_start3A_630 = tpu.memref_squeeze %dma_start3A_629 : memref<1x125xi32, #tpu.memory_space<vmem>> -> memref<125xi32, #tpu.memory_space<vmem>>
      %dma_start3A_631 = arith.constant 0 : i32
      %dma_start3A_632 = arith.constant 0 : i32
      %dma_start3A_633 = tpu.memref_slice %arg2[%dma_start3A_631, %dma_start3A_632] : memref<20000x64xf32, #tpu.memory_space<hbm>> -> memref<20000x64xf32, #tpu.memory_space<hbm>>
      tpu.enqueue_indirect_dma source(%dma_start3A_633 : memref<20000x64xf32, #tpu.memory_space<hbm>>) target(%arg12 : memref<125x64xf32, #tpu.memory_space<vmem>>) offsets(%dma_start3A_630 : memref<125xi32, #tpu.memory_space<vmem>>) semaphore(%arg19 : memref<!tpu.dma_semaphore, #tpu.memory_space<semaphore_mem>>)
      %dma_wait3A_634 = arith.constant 0 : i32
      %dma_wait3A_635 = tpu.memref_slice %arg7[%add3A_617, %dma_wait3A_634] : memref<160x125xi32, #tpu.memory_space<vmem>> -> memref<1x125xi32, #tpu.memory_space<vmem>>
      %dma_wait3A_636 = tpu.memref_squeeze %dma_wait3A_635 : memref<1x125xi32, #tpu.memory_space<vmem>> -> memref<125xi32, #tpu.memory_space<vmem>>
      %dma_wait3A_637 = arith.constant 0 : i32
      %dma_wait3A_638 = arith.constant 0 : i32
      %dma_wait3A_639 = tpu.memref_slice %arg2[%dma_wait3A_637, %dma_wait3A_638] : memref<20000x64xf32, #tpu.memory_space<hbm>> -> memref<20000x64xf32, #tpu.memory_space<hbm>>
      tpu.wait_indirect_dma semaphore(%arg21 : memref<!tpu.dma_semaphore, #tpu.memory_space<semaphore_mem>>) src(%dma_wait3A_639 : memref<20000x64xf32, #tpu.memory_space<hbm>>) dst(%arg14 : memref<125x64xf32, #tpu.memory_space<vmem>>)
      %dma_start3A_640 = arith.constant 0 : i32
      %dma_start3A_641 = tpu.memref_slice %arg8[%add3A_617, %dma_start3A_640] : memref<160x125xi32, #tpu.memory_space<vmem>> -> memref<1x125xi32, #tpu.memory_space<vmem>>
      %dma_start3A_642 = tpu.memref_squeeze %dma_start3A_641 : memref<1x125xi32, #tpu.memory_space<vmem>> -> memref<125xi32, #tpu.memory_space<vmem>>
      %dma_start3A_643 = arith.constant 0 : i32
      %dma_start3A_644 = arith.constant 0 : i32
      %dma_start3A_645 = tpu.memref_slice %arg16[%dma_start3A_643, %dma_start3A_644] : memref<10000x64xf32, #tpu.memory_space<vmem_shared>> -> memref<10000x64xf32, #tpu.memory_space<vmem_shared>>
      tpu.enqueue_indirect_dma source(%arg14 : memref<125x64xf32, #tpu.memory_space<vmem>>) target(%dma_start3A_645 : memref<10000x64xf32, #tpu.memory_space<vmem_shared>>) offsets(%dma_start3A_642 : memref<125xi32, #tpu.memory_space<vmem>>) semaphore(%arg27 : memref<!tpu.dma_semaphore, #tpu.memory_space<semaphore_mem>>) {add = true}
      %add3A_646 = arith.constant 5 : i32
      %add3A_647 = arith.addi %add3A_496, %add3A_646 : i32
      %sub3A_648 = arith.constant 2 : i32
      %sub3A_649 = arith.subi %add3A_647, %sub3A_648 : i32
      %dma_wait3A_650 = arith.constant 0 : i32
      %dma_wait3A_651 = tpu.memref_slice %arg8[%sub3A_649, %dma_wait3A_650] : memref<160x125xi32, #tpu.memory_space<vmem>> -> memref<1x125xi32, #tpu.memory_space<vmem>>
      %dma_wait3A_652 = tpu.memref_squeeze %dma_wait3A_651 : memref<1x125xi32, #tpu.memory_space<vmem>> -> memref<125xi32, #tpu.memory_space<vmem>>
      %dma_wait3A_653 = arith.constant 0 : i32
      %dma_wait3A_654 = arith.constant 0 : i32
      %dma_wait3A_655 = tpu.memref_slice %arg16[%dma_wait3A_653, %dma_wait3A_654] : memref<10000x64xf32, #tpu.memory_space<vmem_shared>> -> memref<10000x64xf32, #tpu.memory_space<vmem_shared>>
      tpu.wait_indirect_dma semaphore(%arg26 : memref<!tpu.dma_semaphore, #tpu.memory_space<semaphore_mem>>) src(%arg13 : memref<125x64xf32, #tpu.memory_space<vmem>>) dst(%dma_wait3A_655 : memref<10000x64xf32, #tpu.memory_space<vmem_shared>>)
      %add3A_656 = arith.constant 4 : i32
      %add3A_657 = arith.addi %add3A_647, %add3A_656 : i32
      %dma_start3A_658 = arith.constant 0 : i32
      %dma_start3A_659 = tpu.memref_slice %arg7[%add3A_657, %dma_start3A_658] : memref<160x125xi32, #tpu.memory_space<vmem>> -> memref<1x125xi32, #tpu.memory_space<vmem>>
      %dma_start3A_660 = tpu.memref_squeeze %dma_start3A_659 : memref<1x125xi32, #tpu.memory_space<vmem>> -> memref<125xi32, #tpu.memory_space<vmem>>
      %dma_start3A_661 = arith.constant 0 : i32
      %dma_start3A_662 = arith.constant 0 : i32
      %dma_start3A_663 = tpu.memref_slice %arg2[%dma_start3A_661, %dma_start3A_662] : memref<20000x64xf32, #tpu.memory_space<hbm>> -> memref<20000x64xf32, #tpu.memory_space<hbm>>
      tpu.enqueue_indirect_dma source(%dma_start3A_663 : memref<20000x64xf32, #tpu.memory_space<hbm>>) target(%arg13 : memref<125x64xf32, #tpu.memory_space<vmem>>) offsets(%dma_start3A_660 : memref<125xi32, #tpu.memory_space<vmem>>) semaphore(%arg20 : memref<!tpu.dma_semaphore, #tpu.memory_space<semaphore_mem>>)
      %dma_wait3A_664 = arith.constant 0 : i32
      %dma_wait3A_665 = tpu.memref_slice %arg7[%add3A_647, %dma_wait3A_664] : memref<160x125xi32, #tpu.memory_space<vmem>> -> memref<1x125xi32, #tpu.memory_space<vmem>>
      %dma_wait3A_666 = tpu.memref_squeeze %dma_wait3A_665 : memref<1x125xi32, #tpu.memory_space<vmem>> -> memref<125xi32, #tpu.memory_space<vmem>>
      %dma_wait3A_667 = arith.constant 0 : i32
      %dma_wait3A_668 = arith.constant 0 : i32
      %dma_wait3A_669 = tpu.memref_slice %arg2[%dma_wait3A_667, %dma_wait3A_668] : memref<20000x64xf32, #tpu.memory_space<hbm>> -> memref<20000x64xf32, #tpu.memory_space<hbm>>
      tpu.wait_indirect_dma semaphore(%arg22 : memref<!tpu.dma_semaphore, #tpu.memory_space<semaphore_mem>>) src(%dma_wait3A_669 : memref<20000x64xf32, #tpu.memory_space<hbm>>) dst(%arg15 : memref<125x64xf32, #tpu.memory_space<vmem>>)
      %dma_start3A_670 = arith.constant 0 : i32
      %dma_start3A_671 = tpu.memref_slice %arg8[%add3A_647, %dma_start3A_670] : memref<160x125xi32, #tpu.memory_space<vmem>> -> memref<1x125xi32, #tpu.memory_space<vmem>>
      %dma_start3A_672 = tpu.memref_squeeze %dma_start3A_671 : memref<1x125xi32, #tpu.memory_space<vmem>> -> memref<125xi32, #tpu.memory_space<vmem>>
      %dma_start3A_673 = arith.constant 0 : i32
      %dma_start3A_674 = arith.constant 0 : i32
      %dma_start3A_675 = tpu.memref_slice %arg16[%dma_start3A_673, %dma_start3A_674] : memref<10000x64xf32, #tpu.memory_space<vmem_shared>> -> memref<10000x64xf32, #tpu.memory_space<vmem_shared>>
      tpu.enqueue_indirect_dma source(%arg15 : memref<125x64xf32, #tpu.memory_space<vmem>>) target(%dma_start3A_675 : memref<10000x64xf32, #tpu.memory_space<vmem_shared>>) offsets(%dma_start3A_672 : memref<125xi32, #tpu.memory_space<vmem>>) semaphore(%arg28 : memref<!tpu.dma_semaphore, #tpu.memory_space<semaphore_mem>>) {add = true}
    }
    %scan3A_312 = arith.constant 25 : i32
    %dma_wait3A_313 = arith.constant 154 : i32
    %dma_wait3A_314 = arith.constant 0 : i32
    %dma_wait3A_315 = tpu.memref_slice %arg8[%dma_wait3A_313, %dma_wait3A_314] : memref<160x125xi32, #tpu.memory_space<vmem>> -> memref<1x125xi32, #tpu.memory_space<vmem>>
    %dma_wait3A_316 = tpu.memref_squeeze %dma_wait3A_315 : memref<1x125xi32, #tpu.memory_space<vmem>> -> memref<125xi32, #tpu.memory_space<vmem>>
    %dma_wait3A_317 = arith.constant 0 : i32
    %dma_wait3A_318 = arith.constant 0 : i32
    %dma_wait3A_319 = tpu.memref_slice %arg16[%dma_wait3A_317, %dma_wait3A_318] : memref<10000x64xf32, #tpu.memory_space<vmem_shared>> -> memref<10000x64xf32, #tpu.memory_space<vmem_shared>>
    tpu.wait_indirect_dma semaphore(%arg27 : memref<!tpu.dma_semaphore, #tpu.memory_space<semaphore_mem>>) src(%arg14 : memref<125x64xf32, #tpu.memory_space<vmem>>) dst(%dma_wait3A_319 : memref<10000x64xf32, #tpu.memory_space<vmem_shared>>)
    %dma_wait3A_320 = arith.constant 156 : i32
    %dma_wait3A_321 = arith.constant 0 : i32
    %dma_wait3A_322 = tpu.memref_slice %arg7[%dma_wait3A_320, %dma_wait3A_321] : memref<160x125xi32, #tpu.memory_space<vmem>> -> memref<1x125xi32, #tpu.memory_space<vmem>>
    %dma_wait3A_323 = tpu.memref_squeeze %dma_wait3A_322 : memref<1x125xi32, #tpu.memory_space<vmem>> -> memref<125xi32, #tpu.memory_space<vmem>>
    %dma_wait3A_324 = arith.constant 0 : i32
    %dma_wait3A_325 = arith.constant 0 : i32
    %dma_wait3A_326 = tpu.memref_slice %arg2[%dma_wait3A_324, %dma_wait3A_325] : memref<20000x64xf32, #tpu.memory_space<hbm>> -> memref<20000x64xf32, #tpu.memory_space<hbm>>
    tpu.wait_indirect_dma semaphore(%arg17 : memref<!tpu.dma_semaphore, #tpu.memory_space<semaphore_mem>>) src(%dma_wait3A_326 : memref<20000x64xf32, #tpu.memory_space<hbm>>) dst(%arg10 : memref<125x64xf32, #tpu.memory_space<vmem>>)
    %dma_start3A_327 = arith.constant 156 : i32
    %dma_start3A_328 = arith.constant 0 : i32
    %dma_start3A_329 = tpu.memref_slice %arg8[%dma_start3A_327, %dma_start3A_328] : memref<160x125xi32, #tpu.memory_space<vmem>> -> memref<1x125xi32, #tpu.memory_space<vmem>>
    %dma_start3A_330 = tpu.memref_squeeze %dma_start3A_329 : memref<1x125xi32, #tpu.memory_space<vmem>> -> memref<125xi32, #tpu.memory_space<vmem>>
    %dma_start3A_331 = arith.constant 0 : i32
    %dma_start3A_332 = arith.constant 0 : i32
    %dma_start3A_333 = tpu.memref_slice %arg16[%dma_start3A_331, %dma_start3A_332] : memref<10000x64xf32, #tpu.memory_space<vmem_shared>> -> memref<10000x64xf32, #tpu.memory_space<vmem_shared>>
    tpu.enqueue_indirect_dma source(%arg10 : memref<125x64xf32, #tpu.memory_space<vmem>>) target(%dma_start3A_333 : memref<10000x64xf32, #tpu.memory_space<vmem_shared>>) offsets(%dma_start3A_330 : memref<125xi32, #tpu.memory_space<vmem>>) semaphore(%arg23 : memref<!tpu.dma_semaphore, #tpu.memory_space<semaphore_mem>>) {add = true}
    %dma_wait3A_334 = arith.constant 155 : i32
    %dma_wait3A_335 = arith.constant 0 : i32
    %dma_wait3A_336 = tpu.memref_slice %arg8[%dma_wait3A_334, %dma_wait3A_335] : memref<160x125xi32, #tpu.memory_space<vmem>> -> memref<1x125xi32, #tpu.memory_space<vmem>>
    %dma_wait3A_337 = tpu.memref_squeeze %dma_wait3A_336 : memref<1x125xi32, #tpu.memory_space<vmem>> -> memref<125xi32, #tpu.memory_space<vmem>>
    %dma_wait3A_338 = arith.constant 0 : i32
    %dma_wait3A_339 = arith.constant 0 : i32
    %dma_wait3A_340 = tpu.memref_slice %arg16[%dma_wait3A_338, %dma_wait3A_339] : memref<10000x64xf32, #tpu.memory_space<vmem_shared>> -> memref<10000x64xf32, #tpu.memory_space<vmem_shared>>
    tpu.wait_indirect_dma semaphore(%arg28 : memref<!tpu.dma_semaphore, #tpu.memory_space<semaphore_mem>>) src(%arg15 : memref<125x64xf32, #tpu.memory_space<vmem>>) dst(%dma_wait3A_340 : memref<10000x64xf32, #tpu.memory_space<vmem_shared>>)
    %dma_wait3A_341 = arith.constant 157 : i32
    %dma_wait3A_342 = arith.constant 0 : i32
    %dma_wait3A_343 = tpu.memref_slice %arg7[%dma_wait3A_341, %dma_wait3A_342] : memref<160x125xi32, #tpu.memory_space<vmem>> -> memref<1x125xi32, #tpu.memory_space<vmem>>
    %dma_wait3A_344 = tpu.memref_squeeze %dma_wait3A_343 : memref<1x125xi32, #tpu.memory_space<vmem>> -> memref<125xi32, #tpu.memory_space<vmem>>
    %dma_wait3A_345 = arith.constant 0 : i32
    %dma_wait3A_346 = arith.constant 0 : i32
    %dma_wait3A_347 = tpu.memref_slice %arg2[%dma_wait3A_345, %dma_wait3A_346] : memref<20000x64xf32, #tpu.memory_space<hbm>> -> memref<20000x64xf32, #tpu.memory_space<hbm>>
    tpu.wait_indirect_dma semaphore(%arg18 : memref<!tpu.dma_semaphore, #tpu.memory_space<semaphore_mem>>) src(%dma_wait3A_347 : memref<20000x64xf32, #tpu.memory_space<hbm>>) dst(%arg11 : memref<125x64xf32, #tpu.memory_space<vmem>>)
    %dma_start3A_348 = arith.constant 157 : i32
    %dma_start3A_349 = arith.constant 0 : i32
    %dma_start3A_350 = tpu.memref_slice %arg8[%dma_start3A_348, %dma_start3A_349] : memref<160x125xi32, #tpu.memory_space<vmem>> -> memref<1x125xi32, #tpu.memory_space<vmem>>
    %dma_start3A_351 = tpu.memref_squeeze %dma_start3A_350 : memref<1x125xi32, #tpu.memory_space<vmem>> -> memref<125xi32, #tpu.memory_space<vmem>>
    %dma_start3A_352 = arith.constant 0 : i32
    %dma_start3A_353 = arith.constant 0 : i32
    %dma_start3A_354 = tpu.memref_slice %arg16[%dma_start3A_352, %dma_start3A_353] : memref<10000x64xf32, #tpu.memory_space<vmem_shared>> -> memref<10000x64xf32, #tpu.memory_space<vmem_shared>>
    tpu.enqueue_indirect_dma source(%arg11 : memref<125x64xf32, #tpu.memory_space<vmem>>) target(%dma_start3A_354 : memref<10000x64xf32, #tpu.memory_space<vmem_shared>>) offsets(%dma_start3A_351 : memref<125xi32, #tpu.memory_space<vmem>>) semaphore(%arg24 : memref<!tpu.dma_semaphore, #tpu.memory_space<semaphore_mem>>) {add = true}
    %dma_wait3A_355 = arith.constant 156 : i32
    %dma_wait3A_356 = arith.constant 0 : i32
    %dma_wait3A_357 = tpu.memref_slice %arg8[%dma_wait3A_355, %dma_wait3A_356] : memref<160x125xi32, #tpu.memory_space<vmem>> -> memref<1x125xi32, #tpu.memory_space<vmem>>
    %dma_wait3A_358 = tpu.memref_squeeze %dma_wait3A_357 : memref<1x125xi32, #tpu.memory_space<vmem>> -> memref<125xi32, #tpu.memory_space<vmem>>
    %dma_wait3A_359 = arith.constant 0 : i32
    %dma_wait3A_360 = arith.constant 0 : i32
    %dma_wait3A_361 = tpu.memref_slice %arg16[%dma_wait3A_359, %dma_wait3A_360] : memref<10000x64xf32, #tpu.memory_space<vmem_shared>> -> memref<10000x64xf32, #tpu.memory_space<vmem_shared>>
    tpu.wait_indirect_dma semaphore(%arg23 : memref<!tpu.dma_semaphore, #tpu.memory_space<semaphore_mem>>) src(%arg10 : memref<125x64xf32, #tpu.memory_space<vmem>>) dst(%dma_wait3A_361 : memref<10000x64xf32, #tpu.memory_space<vmem_shared>>)
    %dma_wait3A_362 = arith.constant 158 : i32
    %dma_wait3A_363 = arith.constant 0 : i32
    %dma_wait3A_364 = tpu.memref_slice %arg7[%dma_wait3A_362, %dma_wait3A_363] : memref<160x125xi32, #tpu.memory_space<vmem>> -> memref<1x125xi32, #tpu.memory_space<vmem>>
    %dma_wait3A_365 = tpu.memref_squeeze %dma_wait3A_364 : memref<1x125xi32, #tpu.memory_space<vmem>> -> memref<125xi32, #tpu.memory_space<vmem>>
    %dma_wait3A_366 = arith.constant 0 : i32
    %dma_wait3A_367 = arith.constant 0 : i32
    %dma_wait3A_368 = tpu.memref_slice %arg2[%dma_wait3A_366, %dma_wait3A_367] : memref<20000x64xf32, #tpu.memory_space<hbm>> -> memref<20000x64xf32, #tpu.memory_space<hbm>>
    tpu.wait_indirect_dma semaphore(%arg19 : memref<!tpu.dma_semaphore, #tpu.memory_space<semaphore_mem>>) src(%dma_wait3A_368 : memref<20000x64xf32, #tpu.memory_space<hbm>>) dst(%arg12 : memref<125x64xf32, #tpu.memory_space<vmem>>)
    %dma_start3A_369 = arith.constant 158 : i32
    %dma_start3A_370 = arith.constant 0 : i32
    %dma_start3A_371 = tpu.memref_slice %arg8[%dma_start3A_369, %dma_start3A_370] : memref<160x125xi32, #tpu.memory_space<vmem>> -> memref<1x125xi32, #tpu.memory_space<vmem>>
    %dma_start3A_372 = tpu.memref_squeeze %dma_start3A_371 : memref<1x125xi32, #tpu.memory_space<vmem>> -> memref<125xi32, #tpu.memory_space<vmem>>
    %dma_start3A_373 = arith.constant 0 : i32
    %dma_start3A_374 = arith.constant 0 : i32
    %dma_start3A_375 = tpu.memref_slice %arg16[%dma_start3A_373, %dma_start3A_374] : memref<10000x64xf32, #tpu.memory_space<vmem_shared>> -> memref<10000x64xf32, #tpu.memory_space<vmem_shared>>
    tpu.enqueue_indirect_dma source(%arg12 : memref<125x64xf32, #tpu.memory_space<vmem>>) target(%dma_start3A_375 : memref<10000x64xf32, #tpu.memory_space<vmem_shared>>) offsets(%dma_start3A_372 : memref<125xi32, #tpu.memory_space<vmem>>) semaphore(%arg25 : memref<!tpu.dma_semaphore, #tpu.memory_space<semaphore_mem>>) {add = true}
    %dma_wait3A_376 = arith.constant 157 : i32
    %dma_wait3A_377 = arith.constant 0 : i32
    %dma_wait3A_378 = tpu.memref_slice %arg8[%dma_wait3A_376, %dma_wait3A_377] : memref<160x125xi32, #tpu.memory_space<vmem>> -> memref<1x125xi32, #tpu.memory_space<vmem>>
    %dma_wait3A_379 = tpu.memref_squeeze %dma_wait3A_378 : memref<1x125xi32, #tpu.memory_space<vmem>> -> memref<125xi32, #tpu.memory_space<vmem>>
    %dma_wait3A_380 = arith.constant 0 : i32
    %dma_wait3A_381 = arith.constant 0 : i32
    %dma_wait3A_382 = tpu.memref_slice %arg16[%dma_wait3A_380, %dma_wait3A_381] : memref<10000x64xf32, #tpu.memory_space<vmem_shared>> -> memref<10000x64xf32, #tpu.memory_space<vmem_shared>>
    tpu.wait_indirect_dma semaphore(%arg24 : memref<!tpu.dma_semaphore, #tpu.memory_space<semaphore_mem>>) src(%arg11 : memref<125x64xf32, #tpu.memory_space<vmem>>) dst(%dma_wait3A_382 : memref<10000x64xf32, #tpu.memory_space<vmem_shared>>)
    %dma_wait3A_383 = arith.constant 159 : i32
    %dma_wait3A_384 = arith.constant 0 : i32
    %dma_wait3A_385 = tpu.memref_slice %arg7[%dma_wait3A_383, %dma_wait3A_384] : memref<160x125xi32, #tpu.memory_space<vmem>> -> memref<1x125xi32, #tpu.memory_space<vmem>>
    %dma_wait3A_386 = tpu.memref_squeeze %dma_wait3A_385 : memref<1x125xi32, #tpu.memory_space<vmem>> -> memref<125xi32, #tpu.memory_space<vmem>>
    %dma_wait3A_387 = arith.constant 0 : i32
    %dma_wait3A_388 = arith.constant 0 : i32
    %dma_wait3A_389 = tpu.memref_slice %arg2[%dma_wait3A_387, %dma_wait3A_388] : memref<20000x64xf32, #tpu.memory_space<hbm>> -> memref<20000x64xf32, #tpu.memory_space<hbm>>
    tpu.wait_indirect_dma semaphore(%arg20 : memref<!tpu.dma_semaphore, #tpu.memory_space<semaphore_mem>>) src(%dma_wait3A_389 : memref<20000x64xf32, #tpu.memory_space<hbm>>) dst(%arg13 : memref<125x64xf32, #tpu.memory_space<vmem>>)
    %dma_start3A_390 = arith.constant 159 : i32
    %dma_start3A_391 = arith.constant 0 : i32
    %dma_start3A_392 = tpu.memref_slice %arg8[%dma_start3A_390, %dma_start3A_391] : memref<160x125xi32, #tpu.memory_space<vmem>> -> memref<1x125xi32, #tpu.memory_space<vmem>>
    %dma_start3A_393 = tpu.memref_squeeze %dma_start3A_392 : memref<1x125xi32, #tpu.memory_space<vmem>> -> memref<125xi32, #tpu.memory_space<vmem>>
    %dma_start3A_394 = arith.constant 0 : i32
    %dma_start3A_395 = arith.constant 0 : i32
    %dma_start3A_396 = tpu.memref_slice %arg16[%dma_start3A_394, %dma_start3A_395] : memref<10000x64xf32, #tpu.memory_space<vmem_shared>> -> memref<10000x64xf32, #tpu.memory_space<vmem_shared>>
    tpu.enqueue_indirect_dma source(%arg13 : memref<125x64xf32, #tpu.memory_space<vmem>>) target(%dma_start3A_396 : memref<10000x64xf32, #tpu.memory_space<vmem_shared>>) offsets(%dma_start3A_393 : memref<125xi32, #tpu.memory_space<vmem>>) semaphore(%arg26 : memref<!tpu.dma_semaphore, #tpu.memory_space<semaphore_mem>>) {add = true}
    %dma_wait3A_397 = arith.constant 158 : i32
    %dma_wait3A_398 = arith.constant 0 : i32
    %dma_wait3A_399 = tpu.memref_slice %arg8[%dma_wait3A_397, %dma_wait3A_398] : memref<160x125xi32, #tpu.memory_space<vmem>> -> memref<1x125xi32, #tpu.memory_space<vmem>>
    %dma_wait3A_400 = tpu.memref_squeeze %dma_wait3A_399 : memref<1x125xi32, #tpu.memory_space<vmem>> -> memref<125xi32, #tpu.memory_space<vmem>>
    %dma_wait3A_401 = arith.constant 0 : i32
    %dma_wait3A_402 = arith.constant 0 : i32
    %dma_wait3A_403 = tpu.memref_slice %arg16[%dma_wait3A_401, %dma_wait3A_402] : memref<10000x64xf32, #tpu.memory_space<vmem_shared>> -> memref<10000x64xf32, #tpu.memory_space<vmem_shared>>
    tpu.wait_indirect_dma semaphore(%arg25 : memref<!tpu.dma_semaphore, #tpu.memory_space<semaphore_mem>>) src(%arg12 : memref<125x64xf32, #tpu.memory_space<vmem>>) dst(%dma_wait3A_403 : memref<10000x64xf32, #tpu.memory_space<vmem_shared>>)
    %dma_wait3A_404 = arith.constant 159 : i32
    %dma_wait3A_405 = arith.constant 0 : i32
    %dma_wait3A_406 = tpu.memref_slice %arg8[%dma_wait3A_404, %dma_wait3A_405] : memref<160x125xi32, #tpu.memory_space<vmem>> -> memref<1x125xi32, #tpu.memory_space<vmem>>
    %dma_wait3A_407 = tpu.memref_squeeze %dma_wait3A_406 : memref<1x125xi32, #tpu.memory_space<vmem>> -> memref<125xi32, #tpu.memory_space<vmem>>
    %dma_wait3A_408 = arith.constant 0 : i32
    %dma_wait3A_409 = arith.constant 0 : i32
    %dma_wait3A_410 = tpu.memref_slice %arg16[%dma_wait3A_408, %dma_wait3A_409] : memref<10000x64xf32, #tpu.memory_space<vmem_shared>> -> memref<10000x64xf32, #tpu.memory_space<vmem_shared>>
    tpu.wait_indirect_dma semaphore(%arg26 : memref<!tpu.dma_semaphore, #tpu.memory_space<semaphore_mem>>) src(%arg13 : memref<125x64xf32, #tpu.memory_space<vmem>>) dst(%dma_wait3A_410 : memref<10000x64xf32, #tpu.memory_space<vmem_shared>>)
    %barrier3A_411 = arith.constant 0 : index
    tpu.barrier barrier_id(%barrier3A_411)
    %add3A_412 = arith.constant 0 : i32
    %add3A_413 = arith.addi %mul3A_58, %add3A_412 : i32
    "tpu.region"() ({
      %run_scoped3A = tpu.sem_alloc : memref<!tpu.dma_semaphore, #tpu.memory_space<semaphore_mem>>
      %dma_start3A_492 = arith.constant 0 : i32
      %dma_start3A_493 = tpu.memref_slice %arg16[%add3A_413, %dma_start3A_492] : memref<10000x64xf32, #tpu.memory_space<vmem_shared>> -> memref<125x64xf32, #tpu.memory_space<vmem_shared>>
      %dma_start3A_494 = arith.constant 0 : i32
      %dma_start3A_495 = tpu.memref_slice %arg16[%add3A_413, %dma_start3A_494] : memref<10000x64xf32, #tpu.memory_space<vmem_shared>> -> memref<125x64xf32, #tpu.memory_space<vmem_shared>>
      tpu.enqueue_dma source(%dma_start3A_495 : memref<125x64xf32, #tpu.memory_space<vmem_shared>>) target(%arg10 : memref<125x64xf32, #tpu.memory_space<vmem>>) target_semaphore(%run_scoped3A : memref<!tpu.dma_semaphore, #tpu.memory_space<semaphore_mem>>)
      %dma_wait3A_496 = arith.constant 0 : i32
      %dma_wait3A_497 = tpu.memref_slice %arg16[%add3A_413, %dma_wait3A_496] : memref<10000x64xf32, #tpu.memory_space<vmem_shared>> -> memref<125x64xf32, #tpu.memory_space<vmem_shared>>
      %dma_wait3A_498 = arith.constant 0 : i32
      %dma_wait3A_499 = tpu.memref_slice %arg16[%add3A_413, %dma_wait3A_498] : memref<10000x64xf32, #tpu.memory_space<vmem_shared>> -> memref<125x64xf32, #tpu.memory_space<vmem_shared>>
      tpu.wait_dma2 semaphore(%run_scoped3A : memref<!tpu.dma_semaphore, #tpu.memory_space<semaphore_mem>>) src(%dma_wait3A_499 : memref<125x64xf32, #tpu.memory_space<vmem_shared>>) dst(%arg10 : memref<125x64xf32, #tpu.memory_space<vmem>>)
      tpu.yield
    }) : () -> ()
    %dma_start3A_414 = arith.constant 0 : i32
    %dma_start3A_415 = arith.constant 0 : i32
    %dma_start3A_416 = tpu.memref_slice %arg9[%dma_start3A_414, %dma_start3A_415] : memref<5x125xi32, #tpu.memory_space<vmem>> -> memref<1x125xi32, #tpu.memory_space<vmem>>
    %dma_start3A_417 = tpu.memref_squeeze %dma_start3A_416 : memref<1x125xi32, #tpu.memory_space<vmem>> -> memref<125xi32, #tpu.memory_space<vmem>>
    %dma_start3A_418 = arith.constant 0 : i32
    %dma_start3A_419 = arith.constant 0 : i32
    %dma_start3A_420 = tpu.memref_slice %arg6[%dma_start3A_418, %dma_start3A_419] : memref<20000x64xf32, #tpu.memory_space<hbm>> -> memref<20000x64xf32, #tpu.memory_space<hbm>>
    tpu.enqueue_indirect_dma source(%arg10 : memref<125x64xf32, #tpu.memory_space<vmem>>) target(%dma_start3A_420 : memref<20000x64xf32, #tpu.memory_space<hbm>>) offsets(%dma_start3A_417 : memref<125xi32, #tpu.memory_space<vmem>>) semaphore(%arg17 : memref<!tpu.dma_semaphore, #tpu.memory_space<semaphore_mem>>)
    %add3A_421 = arith.constant 125 : i32
    %add3A_422 = arith.addi %mul3A_58, %add3A_421 : i32
    "tpu.region"() ({
      %run_scoped3A = tpu.sem_alloc : memref<!tpu.dma_semaphore, #tpu.memory_space<semaphore_mem>>
      %dma_start3A_492 = arith.constant 0 : i32
      %dma_start3A_493 = tpu.memref_slice %arg16[%add3A_422, %dma_start3A_492] : memref<10000x64xf32, #tpu.memory_space<vmem_shared>> -> memref<125x64xf32, #tpu.memory_space<vmem_shared>>
      %dma_start3A_494 = arith.constant 0 : i32
      %dma_start3A_495 = tpu.memref_slice %arg16[%add3A_422, %dma_start3A_494] : memref<10000x64xf32, #tpu.memory_space<vmem_shared>> -> memref<125x64xf32, #tpu.memory_space<vmem_shared>>
      tpu.enqueue_dma source(%dma_start3A_495 : memref<125x64xf32, #tpu.memory_space<vmem_shared>>) target(%arg11 : memref<125x64xf32, #tpu.memory_space<vmem>>) target_semaphore(%run_scoped3A : memref<!tpu.dma_semaphore, #tpu.memory_space<semaphore_mem>>)
      %dma_wait3A_496 = arith.constant 0 : i32
      %dma_wait3A_497 = tpu.memref_slice %arg16[%add3A_422, %dma_wait3A_496] : memref<10000x64xf32, #tpu.memory_space<vmem_shared>> -> memref<125x64xf32, #tpu.memory_space<vmem_shared>>
      %dma_wait3A_498 = arith.constant 0 : i32
      %dma_wait3A_499 = tpu.memref_slice %arg16[%add3A_422, %dma_wait3A_498] : memref<10000x64xf32, #tpu.memory_space<vmem_shared>> -> memref<125x64xf32, #tpu.memory_space<vmem_shared>>
      tpu.wait_dma2 semaphore(%run_scoped3A : memref<!tpu.dma_semaphore, #tpu.memory_space<semaphore_mem>>) src(%dma_wait3A_499 : memref<125x64xf32, #tpu.memory_space<vmem_shared>>) dst(%arg11 : memref<125x64xf32, #tpu.memory_space<vmem>>)
      tpu.yield
    }) : () -> ()
    %dma_start3A_423 = arith.constant 1 : i32
    %dma_start3A_424 = arith.constant 0 : i32
    %dma_start3A_425 = tpu.memref_slice %arg9[%dma_start3A_423, %dma_start3A_424] : memref<5x125xi32, #tpu.memory_space<vmem>> -> memref<1x125xi32, #tpu.memory_space<vmem>>
    %dma_start3A_426 = tpu.memref_squeeze %dma_start3A_425 : memref<1x125xi32, #tpu.memory_space<vmem>> -> memref<125xi32, #tpu.memory_space<vmem>>
    %dma_start3A_427 = arith.constant 0 : i32
    %dma_start3A_428 = arith.constant 0 : i32
    %dma_start3A_429 = tpu.memref_slice %arg6[%dma_start3A_427, %dma_start3A_428] : memref<20000x64xf32, #tpu.memory_space<hbm>> -> memref<20000x64xf32, #tpu.memory_space<hbm>>
    tpu.enqueue_indirect_dma source(%arg11 : memref<125x64xf32, #tpu.memory_space<vmem>>) target(%dma_start3A_429 : memref<20000x64xf32, #tpu.memory_space<hbm>>) offsets(%dma_start3A_426 : memref<125xi32, #tpu.memory_space<vmem>>) semaphore(%arg18 : memref<!tpu.dma_semaphore, #tpu.memory_space<semaphore_mem>>)
    %dma_wait3A_430 = arith.constant 0 : i32
    %dma_wait3A_431 = arith.constant 0 : i32
    %dma_wait3A_432 = tpu.memref_slice %arg9[%dma_wait3A_430, %dma_wait3A_431] : memref<5x125xi32, #tpu.memory_space<vmem>> -> memref<1x125xi32, #tpu.memory_space<vmem>>
    %dma_wait3A_433 = tpu.memref_squeeze %dma_wait3A_432 : memref<1x125xi32, #tpu.memory_space<vmem>> -> memref<125xi32, #tpu.memory_space<vmem>>
    %dma_wait3A_434 = arith.constant 0 : i32
    %dma_wait3A_435 = arith.constant 0 : i32
    %dma_wait3A_436 = tpu.memref_slice %arg6[%dma_wait3A_434, %dma_wait3A_435] : memref<20000x64xf32, #tpu.memory_space<hbm>> -> memref<20000x64xf32, #tpu.memory_space<hbm>>
    tpu.wait_indirect_dma semaphore(%arg17 : memref<!tpu.dma_semaphore, #tpu.memory_space<semaphore_mem>>) src(%arg10 : memref<125x64xf32, #tpu.memory_space<vmem>>) dst(%dma_wait3A_436 : memref<20000x64xf32, #tpu.memory_space<hbm>>)
    %add3A_437 = arith.constant 250 : i32
    %add3A_438 = arith.addi %mul3A_58, %add3A_437 : i32
    "tpu.region"() ({
      %run_scoped3A = tpu.sem_alloc : memref<!tpu.dma_semaphore, #tpu.memory_space<semaphore_mem>>
      %dma_start3A_492 = arith.constant 0 : i32
      %dma_start3A_493 = tpu.memref_slice %arg16[%add3A_438, %dma_start3A_492] : memref<10000x64xf32, #tpu.memory_space<vmem_shared>> -> memref<125x64xf32, #tpu.memory_space<vmem_shared>>
      %dma_start3A_494 = arith.constant 0 : i32
      %dma_start3A_495 = tpu.memref_slice %arg16[%add3A_438, %dma_start3A_494] : memref<10000x64xf32, #tpu.memory_space<vmem_shared>> -> memref<125x64xf32, #tpu.memory_space<vmem_shared>>
      tpu.enqueue_dma source(%dma_start3A_495 : memref<125x64xf32, #tpu.memory_space<vmem_shared>>) target(%arg10 : memref<125x64xf32, #tpu.memory_space<vmem>>) target_semaphore(%run_scoped3A : memref<!tpu.dma_semaphore, #tpu.memory_space<semaphore_mem>>)
      %dma_wait3A_496 = arith.constant 0 : i32
      %dma_wait3A_497 = tpu.memref_slice %arg16[%add3A_438, %dma_wait3A_496] : memref<10000x64xf32, #tpu.memory_space<vmem_shared>> -> memref<125x64xf32, #tpu.memory_space<vmem_shared>>
      %dma_wait3A_498 = arith.constant 0 : i32
      %dma_wait3A_499 = tpu.memref_slice %arg16[%add3A_438, %dma_wait3A_498] : memref<10000x64xf32, #tpu.memory_space<vmem_shared>> -> memref<125x64xf32, #tpu.memory_space<vmem_shared>>
      tpu.wait_dma2 semaphore(%run_scoped3A : memref<!tpu.dma_semaphore, #tpu.memory_space<semaphore_mem>>) src(%dma_wait3A_499 : memref<125x64xf32, #tpu.memory_space<vmem_shared>>) dst(%arg10 : memref<125x64xf32, #tpu.memory_space<vmem>>)
      tpu.yield
    }) : () -> ()
    %dma_start3A_439 = arith.constant 2 : i32
    %dma_start3A_440 = arith.constant 0 : i32
    %dma_start3A_441 = tpu.memref_slice %arg9[%dma_start3A_439, %dma_start3A_440] : memref<5x125xi32, #tpu.memory_space<vmem>> -> memref<1x125xi32, #tpu.memory_space<vmem>>
    %dma_start3A_442 = tpu.memref_squeeze %dma_start3A_441 : memref<1x125xi32, #tpu.memory_space<vmem>> -> memref<125xi32, #tpu.memory_space<vmem>>
    %dma_start3A_443 = arith.constant 0 : i32
    %dma_start3A_444 = arith.constant 0 : i32
    %dma_start3A_445 = tpu.memref_slice %arg6[%dma_start3A_443, %dma_start3A_444] : memref<20000x64xf32, #tpu.memory_space<hbm>> -> memref<20000x64xf32, #tpu.memory_space<hbm>>
    tpu.enqueue_indirect_dma source(%arg10 : memref<125x64xf32, #tpu.memory_space<vmem>>) target(%dma_start3A_445 : memref<20000x64xf32, #tpu.memory_space<hbm>>) offsets(%dma_start3A_442 : memref<125xi32, #tpu.memory_space<vmem>>) semaphore(%arg17 : memref<!tpu.dma_semaphore, #tpu.memory_space<semaphore_mem>>)
    %dma_wait3A_446 = arith.constant 1 : i32
    %dma_wait3A_447 = arith.constant 0 : i32
    %dma_wait3A_448 = tpu.memref_slice %arg9[%dma_wait3A_446, %dma_wait3A_447] : memref<5x125xi32, #tpu.memory_space<vmem>> -> memref<1x125xi32, #tpu.memory_space<vmem>>
    %dma_wait3A_449 = tpu.memref_squeeze %dma_wait3A_448 : memref<1x125xi32, #tpu.memory_space<vmem>> -> memref<125xi32, #tpu.memory_space<vmem>>
    %dma_wait3A_450 = arith.constant 0 : i32
    %dma_wait3A_451 = arith.constant 0 : i32
    %dma_wait3A_452 = tpu.memref_slice %arg6[%dma_wait3A_450, %dma_wait3A_451] : memref<20000x64xf32, #tpu.memory_space<hbm>> -> memref<20000x64xf32, #tpu.memory_space<hbm>>
    tpu.wait_indirect_dma semaphore(%arg18 : memref<!tpu.dma_semaphore, #tpu.memory_space<semaphore_mem>>) src(%arg11 : memref<125x64xf32, #tpu.memory_space<vmem>>) dst(%dma_wait3A_452 : memref<20000x64xf32, #tpu.memory_space<hbm>>)
    %add3A_453 = arith.constant 375 : i32
    %add3A_454 = arith.addi %mul3A_58, %add3A_453 : i32
    "tpu.region"() ({
      %run_scoped3A = tpu.sem_alloc : memref<!tpu.dma_semaphore, #tpu.memory_space<semaphore_mem>>
      %dma_start3A_492 = arith.constant 0 : i32
      %dma_start3A_493 = tpu.memref_slice %arg16[%add3A_454, %dma_start3A_492] : memref<10000x64xf32, #tpu.memory_space<vmem_shared>> -> memref<125x64xf32, #tpu.memory_space<vmem_shared>>
      %dma_start3A_494 = arith.constant 0 : i32
      %dma_start3A_495 = tpu.memref_slice %arg16[%add3A_454, %dma_start3A_494] : memref<10000x64xf32, #tpu.memory_space<vmem_shared>> -> memref<125x64xf32, #tpu.memory_space<vmem_shared>>
      tpu.enqueue_dma source(%dma_start3A_495 : memref<125x64xf32, #tpu.memory_space<vmem_shared>>) target(%arg11 : memref<125x64xf32, #tpu.memory_space<vmem>>) target_semaphore(%run_scoped3A : memref<!tpu.dma_semaphore, #tpu.memory_space<semaphore_mem>>)
      %dma_wait3A_496 = arith.constant 0 : i32
      %dma_wait3A_497 = tpu.memref_slice %arg16[%add3A_454, %dma_wait3A_496] : memref<10000x64xf32, #tpu.memory_space<vmem_shared>> -> memref<125x64xf32, #tpu.memory_space<vmem_shared>>
      %dma_wait3A_498 = arith.constant 0 : i32
      %dma_wait3A_499 = tpu.memref_slice %arg16[%add3A_454, %dma_wait3A_498] : memref<10000x64xf32, #tpu.memory_space<vmem_shared>> -> memref<125x64xf32, #tpu.memory_space<vmem_shared>>
      tpu.wait_dma2 semaphore(%run_scoped3A : memref<!tpu.dma_semaphore, #tpu.memory_space<semaphore_mem>>) src(%dma_wait3A_499 : memref<125x64xf32, #tpu.memory_space<vmem_shared>>) dst(%arg11 : memref<125x64xf32, #tpu.memory_space<vmem>>)
      tpu.yield
    }) : () -> ()
    %dma_start3A_455 = arith.constant 3 : i32
    %dma_start3A_456 = arith.constant 0 : i32
    %dma_start3A_457 = tpu.memref_slice %arg9[%dma_start3A_455, %dma_start3A_456] : memref<5x125xi32, #tpu.memory_space<vmem>> -> memref<1x125xi32, #tpu.memory_space<vmem>>
    %dma_start3A_458 = tpu.memref_squeeze %dma_start3A_457 : memref<1x125xi32, #tpu.memory_space<vmem>> -> memref<125xi32, #tpu.memory_space<vmem>>
    %dma_start3A_459 = arith.constant 0 : i32
    %dma_start3A_460 = arith.constant 0 : i32
    %dma_start3A_461 = tpu.memref_slice %arg6[%dma_start3A_459, %dma_start3A_460] : memref<20000x64xf32, #tpu.memory_space<hbm>> -> memref<20000x64xf32, #tpu.memory_space<hbm>>
    tpu.enqueue_indirect_dma source(%arg11 : memref<125x64xf32, #tpu.memory_space<vmem>>) target(%dma_start3A_461 : memref<20000x64xf32, #tpu.memory_space<hbm>>) offsets(%dma_start3A_458 : memref<125xi32, #tpu.memory_space<vmem>>) semaphore(%arg18 : memref<!tpu.dma_semaphore, #tpu.memory_space<semaphore_mem>>)
    %dma_wait3A_462 = arith.constant 2 : i32
    %dma_wait3A_463 = arith.constant 0 : i32
    %dma_wait3A_464 = tpu.memref_slice %arg9[%dma_wait3A_462, %dma_wait3A_463] : memref<5x125xi32, #tpu.memory_space<vmem>> -> memref<1x125xi32, #tpu.memory_space<vmem>>
    %dma_wait3A_465 = tpu.memref_squeeze %dma_wait3A_464 : memref<1x125xi32, #tpu.memory_space<vmem>> -> memref<125xi32, #tpu.memory_space<vmem>>
    %dma_wait3A_466 = arith.constant 0 : i32
    %dma_wait3A_467 = arith.constant 0 : i32
    %dma_wait3A_468 = tpu.memref_slice %arg6[%dma_wait3A_466, %dma_wait3A_467] : memref<20000x64xf32, #tpu.memory_space<hbm>> -> memref<20000x64xf32, #tpu.memory_space<hbm>>
    tpu.wait_indirect_dma semaphore(%arg17 : memref<!tpu.dma_semaphore, #tpu.memory_space<semaphore_mem>>) src(%arg10 : memref<125x64xf32, #tpu.memory_space<vmem>>) dst(%dma_wait3A_468 : memref<20000x64xf32, #tpu.memory_space<hbm>>)
    %add3A_469 = arith.constant 500 : i32
    %add3A_470 = arith.addi %mul3A_58, %add3A_469 : i32
    "tpu.region"() ({
      %run_scoped3A = tpu.sem_alloc : memref<!tpu.dma_semaphore, #tpu.memory_space<semaphore_mem>>
      %dma_start3A_492 = arith.constant 0 : i32
      %dma_start3A_493 = tpu.memref_slice %arg16[%add3A_470, %dma_start3A_492] : memref<10000x64xf32, #tpu.memory_space<vmem_shared>> -> memref<125x64xf32, #tpu.memory_space<vmem_shared>>
      %dma_start3A_494 = arith.constant 0 : i32
      %dma_start3A_495 = tpu.memref_slice %arg16[%add3A_470, %dma_start3A_494] : memref<10000x64xf32, #tpu.memory_space<vmem_shared>> -> memref<125x64xf32, #tpu.memory_space<vmem_shared>>
      tpu.enqueue_dma source(%dma_start3A_495 : memref<125x64xf32, #tpu.memory_space<vmem_shared>>) target(%arg10 : memref<125x64xf32, #tpu.memory_space<vmem>>) target_semaphore(%run_scoped3A : memref<!tpu.dma_semaphore, #tpu.memory_space<semaphore_mem>>)
      %dma_wait3A_496 = arith.constant 0 : i32
      %dma_wait3A_497 = tpu.memref_slice %arg16[%add3A_470, %dma_wait3A_496] : memref<10000x64xf32, #tpu.memory_space<vmem_shared>> -> memref<125x64xf32, #tpu.memory_space<vmem_shared>>
      %dma_wait3A_498 = arith.constant 0 : i32
      %dma_wait3A_499 = tpu.memref_slice %arg16[%add3A_470, %dma_wait3A_498] : memref<10000x64xf32, #tpu.memory_space<vmem_shared>> -> memref<125x64xf32, #tpu.memory_space<vmem_shared>>
      tpu.wait_dma2 semaphore(%run_scoped3A : memref<!tpu.dma_semaphore, #tpu.memory_space<semaphore_mem>>) src(%dma_wait3A_499 : memref<125x64xf32, #tpu.memory_space<vmem_shared>>) dst(%arg10 : memref<125x64xf32, #tpu.memory_space<vmem>>)
      tpu.yield
    }) : () -> ()
    %dma_start3A_471 = arith.constant 4 : i32
    %dma_start3A_472 = arith.constant 0 : i32
    %dma_start3A_473 = tpu.memref_slice %arg9[%dma_start3A_471, %dma_start3A_472] : memref<5x125xi32, #tpu.memory_space<vmem>> -> memref<1x125xi32, #tpu.memory_space<vmem>>
    %dma_start3A_474 = tpu.memref_squeeze %dma_start3A_473 : memref<1x125xi32, #tpu.memory_space<vmem>> -> memref<125xi32, #tpu.memory_space<vmem>>
    %dma_start3A_475 = arith.constant 0 : i32
    %dma_start3A_476 = arith.constant 0 : i32
    %dma_start3A_477 = tpu.memref_slice %arg6[%dma_start3A_475, %dma_start3A_476] : memref<20000x64xf32, #tpu.memory_space<hbm>> -> memref<20000x64xf32, #tpu.memory_space<hbm>>
    tpu.enqueue_indirect_dma source(%arg10 : memref<125x64xf32, #tpu.memory_space<vmem>>) target(%dma_start3A_477 : memref<20000x64xf32, #tpu.memory_space<hbm>>) offsets(%dma_start3A_474 : memref<125xi32, #tpu.memory_space<vmem>>) semaphore(%arg17 : memref<!tpu.dma_semaphore, #tpu.memory_space<semaphore_mem>>)
    %dma_wait3A_478 = arith.constant 3 : i32
    %dma_wait3A_479 = arith.constant 0 : i32
    %dma_wait3A_480 = tpu.memref_slice %arg9[%dma_wait3A_478, %dma_wait3A_479] : memref<5x125xi32, #tpu.memory_space<vmem>> -> memref<1x125xi32, #tpu.memory_space<vmem>>
    %dma_wait3A_481 = tpu.memref_squeeze %dma_wait3A_480 : memref<1x125xi32, #tpu.memory_space<vmem>> -> memref<125xi32, #tpu.memory_space<vmem>>
    %dma_wait3A_482 = arith.constant 0 : i32
    %dma_wait3A_483 = arith.constant 0 : i32
    %dma_wait3A_484 = tpu.memref_slice %arg6[%dma_wait3A_482, %dma_wait3A_483] : memref<20000x64xf32, #tpu.memory_space<hbm>> -> memref<20000x64xf32, #tpu.memory_space<hbm>>
    tpu.wait_indirect_dma semaphore(%arg18 : memref<!tpu.dma_semaphore, #tpu.memory_space<semaphore_mem>>) src(%arg11 : memref<125x64xf32, #tpu.memory_space<vmem>>) dst(%dma_wait3A_484 : memref<20000x64xf32, #tpu.memory_space<hbm>>)
    %dma_wait3A_485 = arith.constant 4 : i32
    %dma_wait3A_486 = arith.constant 0 : i32
    %dma_wait3A_487 = tpu.memref_slice %arg9[%dma_wait3A_485, %dma_wait3A_486] : memref<5x125xi32, #tpu.memory_space<vmem>> -> memref<1x125xi32, #tpu.memory_space<vmem>>
    %dma_wait3A_488 = tpu.memref_squeeze %dma_wait3A_487 : memref<1x125xi32, #tpu.memory_space<vmem>> -> memref<125xi32, #tpu.memory_space<vmem>>
    %dma_wait3A_489 = arith.constant 0 : i32
    %dma_wait3A_490 = arith.constant 0 : i32
    %dma_wait3A_491 = tpu.memref_slice %arg6[%dma_wait3A_489, %dma_wait3A_490] : memref<20000x64xf32, #tpu.memory_space<hbm>> -> memref<20000x64xf32, #tpu.memory_space<hbm>>
    tpu.wait_indirect_dma semaphore(%arg17 : memref<!tpu.dma_semaphore, #tpu.memory_space<semaphore_mem>>) src(%arg10 : memref<125x64xf32, #tpu.memory_space<vmem>>) dst(%dma_wait3A_491 : memref<20000x64xf32, #tpu.memory_space<hbm>>)
    return
  }
}

</mosaic_0001>

<sc_bundles>
// kernel: kernel.3.cloned.1.call-start
scs
__scs_entry_jumppad:
0x0: {  	(pc) =	sbr.rel $0x88, $3  }
0x1: {  	(tag) =	ssettag $0x0;
	lr =	simm.s32 $0x1  }
0x2: {  	[smem:$0x3F9F] =	sst lr;
	_ =	strace $0xD0000000  }
0x3: {  	_ = 	snop  }
0x4: {  	_ = 	snop  }
0x5: {  	_ = 	snop  }
0x6: {  	_ = 	snop  }
0x7: {  	_ = 	snop  }
__scs_overlays_trampoline_lowered:
0x8: {  	[smem:$0x3FAE] =	sst s0  }
0x9: {  	[smem:$0x3FAF] =	sst s1  }
0xa: {  	[smem:$0x3FB0] =	sst s2  }
0xb: {  	[smem:$0x3FB1] =	sst s3  }
0xc: {  	[smem:$0x3FB2] =	sst s4  }
0xd: {  	[smem:$0x3FB3] =	sst s5  }
0xe: {  	[smem:$0x3FB4] =	sst s6  }
0xf: {  	[smem:$0x3FB5] =	sst s7  }
0x10: {  	[smem:$0x3FB6] =	sst s8  }
0x11: {  	[smem:$0x3FB7] =	sst s9;
	s0 =	simm.s32 @!p0 $0x0  }
0x12: {  	s1 =	sld [smem:$0x3F9D];
	s0 =	simm.s32 @p0 $0x1  }
0x13: {  	[smem:$0x3FB8] =	sst s0;
	s0 =	simm.s32 @!p1 $0x0  }
0x14: {  	s2 =	sld [smem:$0x3F9C];
	s0 =	simm.s32 @p1 $0x1  }
0x15: {  	[smem:$0x3FB9] =	sst s0;
	s0 =	simm.s32 @!p2 $0x0  }
0x16: {  	s3 =	sld [smem:$0x3FDB];
	s0 =	simm.s32 @p2 $0x1  }
0x17: {  	s4 =	simm.s32 $0x1BF5;
	[smem:$0x3FBB] =	sst s0  }
0x18: {  	s0 =	sld [smem:$0x3F9E];
	_ =	swait.ge [sflag:s4], $0x0  }
0x19: {  	s7 =	sld [smem:$0x3F9F]  }
0x1a: {  	s8 =	sadd.s32 $0xFFFFE003, lr  }
0x1b: {  	s9 =	sadd.s32 $0xFFFFFEF7, lr;
	s5 =	simm.s32 $0xFFFFFFFF;
	p2 =	slt.u32 s8, $0xFFFFF086  }
0x1c: {  	p1 =	slt.u32 s9, $0xF7A;
	s5 =	simm.s32 @!p2 $0x0  }
0x1d: {  	s5 =	simm.s32 @p1 $0x1;
	p0 =	seq.s32 s7, s2  }
0x1e: {  	s7 =	smul.u32 @!p0 $0xF7A, s2;
	p2 =	seq.s32 @!p0 s5, $0x0  }
0x1f: {  	s9 =	smul.u32 $0xF7A, s1;
	s8 =	simm.s32 @!p0 $0x1BF5;
	p2 =	por !p2, p0  }
0x20: {  	[sflag:s8] =	ssyncset.s32 @!p0 $0xFFFFF086;
	s6 =	sadd.s32 @!p0 s3, s7;
	s7 =	simm.s32 @!p0 $0x108  }
0x21: {  	s3 =	sadd.s32 s3, s9;
	s6 =	sadd.s32 @!p0 $0x88, s6;
	s7 =	simm.s32 @p2 $0x1082  }
0x22: {  	[simem:s7], [sflag:s8] =	dma.local @!p0 [hbm:s6], $0xF7A  }
0x23: {  	s9 =	sor.u32 $0xD0000000, s2;
	s6 =	simm.s32 $0x108;
	_ =	swait.ge @!p0 [sflag:s8], $0x0  }
0x24: {  	s3 =	sadd.s32 $0x88, s3;
	s6 =	simm.s32 @!p1 $0x1082;
	[sflag:s4] =	ssyncset.s32 $0xFFFFF086  }
0x25: {  	[simem:s6], [sflag:s4] =	dma.local [hbm:s3], $0xF7A  }
0x26: {  	[smem:$0x3F9F] =	sst s1;
	(tag) =	ssettag s2;
	_ =	strace s9  }
0x27: {  	s1 =	sld [smem:$0x3FAF]  }
0x28: {  	s2 =	sld [smem:$0x3FB0]  }
0x29: {  	s4 =	sld [smem:$0x3FB2]  }
0x2a: {  	p0 =	seq.s32 s5, $0x0;
	s5 =	sld [smem:$0x3FB3]  }
0x2b: {  	s6 =	sld [smem:$0x3FB4]  }
0x2c: {  	s7 =	sld [smem:$0x3FB5]  }
0x2d: {  	s3 =	simm.s32 $0x108;
	s8 =	sld [smem:$0x3FB6]  }
0x2e: {  	s3 =	simm.s32 @!p0 $0x1082;
	s9 =	sld [smem:$0x3FB7]  }
0x2f: {  	lr =	sadd.s32 s0, s3;
	s0 =	sld [smem:$0x3FAE]  }
0x30: {  	s3 =	sld [smem:$0x3FB1]  }
0x31: {  	[smem:$0x3FBA] =	sst s10  }
0x32: {  	s10 =	sld [smem:$0x3FB8];
	_ =	sdelay $0x3  }
0x33: {  	p0 =	seq.s32 s10, $0x1;
	s10 =	sld [smem:$0x3FBA];
	_ =	sdelay $0x3  }
0x34: {  	[smem:$0x3FBA] =	sst s10  }
0x35: {  	s10 =	sld [smem:$0x3FB9];
	_ =	sdelay $0x3  }
0x36: {  	p1 =	seq.s32 s10, $0x1;
	s10 =	sld [smem:$0x3FBA];
	_ =	sdelay $0x3  }
0x37: {  	[smem:$0x3FBA] =	sst s10  }
0x38: {  	s10 =	sld [smem:$0x3FBB]  }
0x39: {  	_ = 	snop;
	(pc) =	sbr.ind lr, $3  }
0x3a: {  	_ = 	snop  }
0x3b: {  	_ = 	snop  }
0x3c: {  	p2 =	seq.s32 s10, $0x1;
	s10 =	sld [smem:$0x3FBA]  }
0x3d: {  	_ =	shalt  }
0x3e: {  	_ =	shalt  }
0x3f: {  	_ =	shalt  }
0x40: {  	_ =	shalt  }
0x41: {  	_ =	shalt  }
0x42: {  	_ =	shalt  }
0x43: {  	_ =	shalt  }
0x44: {  	_ =	shalt  }
0x45: {  	_ =	shalt  }
0x46: {  	_ =	shalt  }
0x47: {  	_ =	shalt  }
0x48: {  	_ =	shalt  }
0x49: {  	_ =	shalt  }
0x4a: {  	_ =	shalt  }
0x4b: {  	_ =	shalt  }
0x4c: {  	_ =	shalt  }
0x4d: {  	_ =	shalt  }
0x4e: {  	_ =	shalt  }
0x4f: {  	_ =	shalt  }
0x50: {  	_ =	shalt  }
0x51: {  	_ =	shalt  }
0x52: {  	_ =	shalt  }
0x53: {  	_ =	shalt  }
0x54: {  	_ =	shalt  }
0x55: {  	_ =	shalt  }
0x56: {  	_ =	shalt  }
0x57: {  	_ =	shalt  }
0x58: {  	_ =	shalt  }
0x59: {  	_ =	shalt  }
0x5a: {  	_ =	shalt  }
0x5b: {  	_ =	shalt  }
0x5c: {  	_ =	shalt  }
0x5d: {  	_ =	shalt  }
0x5e: {  	_ =	shalt  }
0x5f: {  	_ =	shalt  }
0x60: {  	_ =	shalt  }
0x61: {  	_ =	shalt  }
0x62: {  	_ =	shalt  }
0x63: {  	_ =	shalt  }
0x64: {  	_ =	shalt  }
0x65: {  	_ =	shalt  }
0x66: {  	_ =	shalt  }
0x67: {  	_ =	shalt  }
0x68: {  	_ =	shalt  }
0x69: {  	_ =	shalt  }
0x6a: {  	_ =	shalt  }
0x6b: {  	_ =	shalt  }
0x6c: {  	_ =	shalt  }
0x6d: {  	_ =	shalt  }
0x6e: {  	_ =	shalt  }
0x6f: {  	_ =	shalt  }
0x70: {  	_ =	shalt  }
0x71: {  	_ =	shalt  }
0x72: {  	_ =	shalt  }
0x73: {  	_ =	shalt  }
0x74: {  	_ =	shalt  }
0x75: {  	_ =	shalt  }
0x76: {  	_ =	shalt  }
0x77: {  	_ =	shalt  }
0x78: {  	_ =	shalt  }
0x79: {  	_ =	shalt  }
0x7a: {  	_ =	shalt  }
0x7b: {  	_ =	shalt  }
0x7c: {  	_ =	shalt  }
0x7d: {  	_ =	shalt  }
0x7e: {  	_ =	shalt  }
0x7f: {  	_ =	shalt  }
0x80: {  	_ =	shalt  }
0x81: {  	_ =	shalt  }
0x82: {  	_ =	shalt  }
0x83: {  	_ =	shalt  }
0x84: {  	_ =	shalt  }
0x85: {  	_ =	shalt  }
0x86: {  	_ =	shalt  }
0x87: {  	_ =	shalt  }
.Lfunc_end0:
.L_simem_size_0:
called_computation_lowered:
.L_overlay_start_0:
0x88: {  	s2 =	sld [smem:$0x3FD9]  }
0x89: {  	s3 =	sld [smem:$0x3FFE];
	_ =	sdelay $0x1  }
0x8a: {  	s1 =	srdreg.scid  }
0x8b: {  	s0 =	sand.u32 $0x1, s1  }
0x8c: {  	s17 =	sshll.u32 s0, $0xA;
	s2 =	sadd.s32 s3, s2  }
0x8d: {  	s2 =	sadd.s32 s2, s17  }
0x8e: {  	[smem:$0x3FC6] =	sst s2  }
0x8f: {  	_ = 	snop  }
0x90: {  	s2 =	sld [smem:$0x3FC9]  }
0x91: {  	s18 =	sld [smem:$0x3FD0];
	(tm) =	ssettm $0x1  }
0x92: {  	s4 =	sld [smem:$0x3FFB];
	_ =	sdelay $0x3  }
0x93: {  	_ =	strace s4  }
0x94: {  	s4 =	sld [smem:$0x3FFC];
	_ =	sdelay $0x3  }
0x95: {  	_ =	strace s4  }
0x96: {  	s4 =	sld [smem:$0x3FFD];
	_ =	sdelay $0x3  }
0x97: {  	_ =	strace s4  }
0x98: {  	_ =	strace $0x8FFFFFFF  }
0x99: {  	s19 =	sld [smem:$0x3FDB];
	_ =	sdelay $0x1  }
0x9a: {  	s5 =	simm.s32 $_scs_section_size  }
0x9b: {  	s6 =	simm.s32 $_size__tile_overlayer_lowered;
	s7 =	simm.s32 $_tile_overlayer_lowered  }
0x9c: {  	s22 =	simm.s32 $0x1BFF;
	s21 =	sshll.u32 s7, $0x1;
	s4 =	sadd.s32 s5, s19  }
0x9d: {  	s8 =	simm.s32 $0x0;
	s20 =	sshll.u32 s6, $0x1;
	s6 =	sadd.s32 s21, s4  }
0x9e: {  	[timem:s8], [sflag:s22] =	dma.local [hbm:s6], s20  }
0x9f: {  	_ =	swait.ge [sflag:s22], s20  }
0xa0: {  	s5 =	ssub.s32 $0x0, s20;
	[sflag:s22] =	ssyncset.done $0x0  }
0xa1: {  	[sflag:s22] =	ssyncadd.s32 s5;
	_ =	sdelay $0x1  }
0xa2: {  	s23 =	simm.s32 $0x1B8B  }
0xa3: {  	_ =	swait.ge [sflag:s23], $0x1  }
0xa4: {  	[sflag:s23] =	ssyncset.done $0x0  }
0xa5: {  	s25 =	simm.s32 $0x1B8E;
	s24 =	sld [smem:$0x3FFE];
	[sflag:s23] =	ssyncadd.s32 $0xFFFFFFFF  }
0xa6: {  	s26 =	simm.s32 $execute0_lowered;
	[smem:$0x3FD2] =	sst s25  }
0xa7: {  	s6 =	sshll.u32 s26, $0x1;
	_ =	strace $0x80000046;
	[dreg:$0x1] =	wrdreg $0xFFFFFFFF  }
0xa8: {  	s28 =	simm.s32 $_size_execute0_lowered;
	s4 =	sadd.s32 s4, s6;
	[dreg:$0x0] =	wrdreg $0x0  }
0xa9: {  	s6 =	sshll.u32 s28, $0x1;
	[dreg:$0x2] =	wrdreg s4  }
0xaa: {  	[dreg:$0x3] =	wrdreg s6  }
0xab: {  	[dreg:$0x4] =	wrdreg $0xC0  }
0xac: {  	_ =	task [dreg:s8], $0x5FFFF  }
0xad: {  	[dreg:$0x1] =	wrdreg $0xFFFFFFFF  }
0xae: {  	[dreg:$0x0] =	wrdreg $0x60  }
0xaf: {  	[dreg:$0x2] =	wrdreg s2  }
0xb0: {  	[dreg:$0x3] =	wrdreg s24  }
0xb1: {  	[dreg:$0x4] =	wrdreg s18  }
0xb2: {  	[dreg:$0x5] =	wrdreg $0x15E000  }
0xb3: {  	[dreg:$0x6] =	wrdreg $0x9  }
0xb4: {  	_ =	task.clear_ibuf [dreg:s8], $0x7FFFF;
	_ =	strace $0x90000046  }
0xb5: {  	s29 =	simm.s32 $0x9;
	_ =	strace $0x80000048  }
0xb6: {  	_ =	swait.ge [sflag:s29], $0x1  }
0xb7: {  	[sflag:s29] =	ssyncadd.s32 $0xFFFFFFFF  }
0xb8: {  	_ =	strace $0x90000048  }
0xb9: {  	_ =	sfence  }
0xba: {  	s30 =	sld [smem:$0x0];
	_ =	sdelay $0x2  }
0xbb: {  	s31 =	sshll.u32 s1, $0xD;
	s1 =	sshrl.u32 s1, $0x2  }
0xbc: {  	s3 =	sand.u32 $0x4000, s31;
	s1 =	sadd.s32 s1, s30  }
0xbd: {  	s0 =	sor.u32 s3, s0;
	s1 =	sshll.u32 s1, $0x11  }
0xbe: {  	s0 =	sor.u32 s1, s0  }
0xbf: {  	s0 =	sadd.s32 $0x8F2B, s0  }
0xc0: {  	[sflag:s0] =	ssyncadd.remote.s32 $0x1  }
0xc1: {  	_ =	sfence.sel $0xFFFF  }
0xc2: {  	[dreg:$0x0] =	wrdreg $0xFFFFFFFF;
	(pc) =	sbr.abs _section_cstart, $3  }
0xc3: {  	[dreg:$0x1] =	wrdreg $0xFFFFFFFF  }
0xc4: {  	_ =	task.clear_ibuf [dreg:s8], $0x2FFFF;
	_ =	strace $0x9FFFFFFF  }
0xc5: {  	(tm) =	ssettm $0x7FFFFFFF  }
tec
execute0_lowered:
.L_overlay_start_1:
0x0: {  	(tag) =	ssettag $0x1  }
0x1: {  	s1 =	rddreg [dreg:$0x0]  }
0x2: {  	s0 =	srdreg.scid;
	s2 =	rddreg [dreg:$0x1]  }
0x3: {  	s9 =	stileid.u32;
	s4 =	rddreg [dreg:$0x3]  }
0x4: {  	s7 =	simm.s32 $0x0;
	s17 =	simm.s32 $0xB;
	s18 =	simm.s32 $0x7D  }
0x5: {  	s19 =	simm.s32 $0xA280;
	s21 =	simm.s32 $0xC1C0;
	s28 =	simm.s32 $0x11F80  }
0x6: {  	s30 =	simm.s32 $0x13EC0;
	s31 =	simm.s32 $0x5;
	s5 =	smul.u32 $0x5000, s9  }
0x7: {  	s20 =	simm.s32 $0x6;
	s16 =	simm.s32 $0x7;
	s8 =	smul.u32 $0x280, s9  }
0x8: {  	s14 =	simm.s32 $0x3;
	s0 =	sand.u32 $0x1, s0;
	s9 =	smul.u32 $0x27100, s9  }
0x9: {  	s29 =	simm.s32 $0x8;
	s22 =	simm.s32 $0x9;
	s6 =	smul.u32 $0x50000, s0  }
0xa: {  	[smem:$0x7FF] =	sst s7;
	s23 =	smul.u32 $0x2800, s0;
	s0 =	ssub.s32 $0x2, s0  }
0xb: {  	s11 =	simm.s32 $0x0;
	_ =	strace $0x80000047;
	s10 =	sshrl.u32 s0, $0x1  }
0xc: {  	s24 =	sshrl.u32 s9, $0x2;
	s9 =	simm.s32 $0x2;
	s6 =	sadd.s32 s5, s6  }
0xd: {  	s5 =	sshrl.u32 s5, $0x3;
	s7 =	sadd.s32 s8, s23;
	s0 =	ssub.s32 s0, s10  }
0xe: {  	s3 =	sadd.s32 s24, s4;
	s23 =	simm.s32 $0xE100;
	s6 =	sshrl.u32 s6, $0x3  }
0xf: {  	s5 =	sadd.s32 s5, s2;
	s7 =	sshrl.u32 s7, $0x3;
	s15 =	sadd.s32 $0x1F40, s3  }
0x10: {  	s12 =	sadd.s32 $0x3E80, s3;
	s0 =	smax.u32 s0, $0x1;
	[dreg:$0x8] =	wrdreg s3  }
0x11: {  	s8 =	sadd.s32 $0x5DC0, s3;
	s10 =	sadd.s32 $0x7D00, s3;
	[dreg:$0xb] =	wrdreg s0  }
0x12: {  	s6 =	sadd.s32 s6, s2;
	s2 =	sadd.s32 s2, s7;
	[dreg:$0x9] =	wrdreg s10  }
0x13: {  	s26 =	sadd.s32 $0xA00, s5;
	s7 =	simm.s32 $0x1;
	[dreg:$0xa] =	wrdreg s15  }
0x14: {  	s0 =	simm.s32 $0x4;
	[dreg:$0x5] =	wrdreg s2;
	s25 =	sadd.s32 $0xAA00, s6  }
0x15: {  	[dreg:$0x7] =	wrdreg s26;
	s26 =	simm.s32 $0xC;
	s2 =	simm.s32 $0xD  }
0x16: {  	s6 =	simm.s32 $0xA;
	[dreg:$0x6] =	wrdreg s25;
	s25 =	simm.s32 $0x10040  }
.LBB2_1:
0x17: {  	[dreg:$0xc] =	wrdreg s11  }
0x18: {  	s5 =	simm.s32 $0x0;
	s13 =	simm.s32 $0xA000;
	s24 =	rddreg [dreg:$0x5]  }
0x19: {  	[tilespmem:s13], [sflag:$0xC] =	stream.linear.gather [hbm4b:s24+s5], $0x280, $0x38;
	[tilespmem:$0x1FA40] =	vst v63  }
0x1a: {  	s24 =	rddreg [dreg:$0x6]  }
0x1b: {  	[tilespmem:s5], [sflag:$0xB] =	stream.linear.gather [hbm4b:s24+s5], $0x5000, $0x38;
	[tilespmem:$0x1FA40] =	vst v63  }
0x1c: {  	s11 =	smov.u32 s10;
	s10 =	rddreg [dreg:$0x7];
	s24 =	simm.s32 $0x5000  }
0x1d: {  	[tilespmem:s24], [sflag:$0xA] =	stream.linear.gather [hbm4b:s10+s5], $0x5000, $0x38;
	[tilespmem:$0x1FA40] =	vst v63  }
0x1e: {  	_ =	swait.ge [sflag:s17], $0x5000  }
0x1f: {  	[sflag:s17] =	ssyncset.done $0x0  }
0x20: {  	[sflag:s17] =	ssyncadd.s32 $0xFFFFB000  }
0x21: {  	[tilespmem:s19], [sflag:$0x1] =	stream.indirect.gather [hbm4b:s1+s18], $0x40, s5, s18, $0xb8;
	[tilespmem:$0x1FA40] =	vst v63  }
0x22: {  	s24 =	simm.s32 $0x80  }
0x23: {  	[tilespmem:s21], [sflag:$0x2] =	stream.indirect.gather [hbm4b:s1+s18], $0x40, s24, s18, $0xb8;
	[tilespmem:$0x1FA40] =	vst v63  }
0x24: {  	s24 =	simm.s32 $0x100  }
0x25: {  	[tilespmem:s23], [sflag:$0x3] =	stream.indirect.gather [hbm4b:s1+s18], $0x40, s24, s18, $0xb8;
	[tilespmem:$0x1FA40] =	vst v63  }
0x26: {  	s24 =	simm.s32 $0x180  }
0x27: {  	[tilespmem:s25], [sflag:$0x4] =	stream.indirect.gather [hbm4b:s1+s18], $0x40, s24, s18, $0xb8;
	[tilespmem:$0x1FA40] =	vst v63  }
0x28: {  	_ =	swait.ge [sflag:s26], $0x280  }
0x29: {  	[sflag:s26] =	ssyncset.done $0x0  }
0x2a: {  	[sflag:s26] =	ssyncadd.s32 $0xFFFFFD80  }
0x2b: {  	[tilespmem:s28], [sflag:$0x5] =	stream.indirect.gather [hbm4b:s1+s18], $0x40, s13, s18, $0xb8;
	[tilespmem:$0x1FA40] =	vst v63  }
0x2c: {  	s13 =	simm.s32 $0xA080  }
0x2d: {  	[tilespmem:s30], [sflag:$0x6] =	stream.indirect.gather [hbm4b:s1+s18], $0x40, s13, s18, $0xb8;
	[tilespmem:$0x1FA40] =	vst v63  }
0x2e: {  	_ =	swait.ge [sflag:s31], $0x1F40  }
0x2f: {  	[sflag:s31] =	ssyncset.done $0x0  }
0x30: {  	[sflag:s31] =	ssyncadd.s32 $0xFFFFE0C0  }
0x31: {  	[spmem:s3] =	stream.linear.scatter [tilespmem:s28], [sflag:$0xD], $0x1F40, $0x38;
	[tilespmem:$0x1FA40] =	vst v63  }
0x32: {  	_ =	swait.ge [sflag:s2], $0x1F40  }
0x33: {  	[sflag:s2] =	ssyncset.done $0x0  }
0x34: {  	s24 =	simm.s32 $0xA100;
	[sflag:s2] =	ssyncadd.s32 $0xFFFFE0C0  }
0x35: {  	[tilespmem:s28], [sflag:$0x5] =	stream.indirect.gather [hbm4b:s1+s18], $0x40, s24, s18, $0xb8;
	[tilespmem:$0x1FA40] =	vst v63  }
0x36: {  	_ =	swait.ge [sflag:s20], $0x1F40  }
0x37: {  	[sflag:s20] =	ssyncset.done $0x0  }
0x38: {  	[sflag:s20] =	ssyncadd.s32 $0xFFFFE0C0  }
0x39: {  	[spmem:s15] =	stream.linear.scatter [tilespmem:s30], [sflag:$0xD], $0x1F40, $0x38;
	[tilespmem:$0x1FA40] =	vst v63  }
0x3a: {  	_ =	swait.ge [sflag:s2], $0x1F40  }
0x3b: {  	[sflag:s2] =	ssyncset.done $0x0  }
0x3c: {  	s15 =	simm.s32 $0xA180;
	[sflag:s2] =	ssyncadd.s32 $0xFFFFE0C0  }
0x3d: {  	[tilespmem:s30], [sflag:$0x6] =	stream.indirect.gather [hbm4b:s1+s18], $0x40, s15, s18, $0xb8;
	[tilespmem:$0x1FA40] =	vst v63  }
0x3e: {  	_ =	swait.ge [sflag:s31], $0x1F40  }
0x3f: {  	[sflag:s31] =	ssyncset.done $0x0  }
0x40: {  	[sflag:s31] =	ssyncadd.s32 $0xFFFFE0C0  }
0x41: {  	[spmem:s12] =	stream.linear.scatter [tilespmem:s28], [sflag:$0xD], $0x1F40, $0x38;
	[tilespmem:$0x1FA40] =	vst v63  }
0x42: {  	_ =	swait.ge [sflag:s2], $0x1F40  }
0x43: {  	[sflag:s2] =	ssyncset.done $0x0  }
0x44: {  	s5 =	simm.s32 $0xA200;
	[sflag:s2] =	ssyncadd.s32 $0xFFFFE0C0  }
0x45: {  	[tilespmem:s28], [sflag:$0x5] =	stream.indirect.gather [hbm4b:s1+s18], $0x40, s5, s18, $0xb8;
	[tilespmem:$0x1FA40] =	vst v63  }
0x46: {  	_ =	swait.ge [sflag:s20], $0x1F40  }
0x47: {  	[sflag:s20] =	ssyncset.done $0x0  }
0x48: {  	[sflag:s20] =	ssyncadd.s32 $0xFFFFE0C0  }
0x49: {  	[spmem:s8] =	stream.linear.scatter [tilespmem:s30], [sflag:$0xD], $0x1F40, $0x38;
	[tilespmem:$0x1FA40] =	vst v63  }
0x4a: {  	_ =	swait.ge [sflag:s2], $0x1F40  }
0x4b: {  	[sflag:s2] =	ssyncset.done $0x0  }
0x4c: {  	[sflag:s2] =	ssyncadd.s32 $0xFFFFE0C0  }
0x4d: {  	_ =	swait.ge [sflag:s31], $0x1F40  }
0x4e: {  	[sflag:s31] =	ssyncset.done $0x0  }
0x4f: {  	[sflag:s31] =	ssyncadd.s32 $0xFFFFE0C0  }
0x50: {  	[spmem:s11] =	stream.linear.scatter [tilespmem:s28], [sflag:$0xD], $0x1F40, $0x38;
	[tilespmem:$0x1FA40] =	vst v63  }
0x51: {  	_ =	swait.ge [sflag:s2], $0x1F40  }
0x52: {  	[sflag:s2] =	ssyncset.done $0x0  }
0x53: {  	[sflag:s2] =	ssyncadd.s32 $0xFFFFE0C0  }
0x54: {  	_ =	swait.ge [sflag:s6], $0x5000  }
0x55: {  	[sflag:s6] =	ssyncset.done $0x0  }
0x56: {  	[sflag:s6] =	ssyncadd.s32 $0xFFFFB000  }
0x57: {  	[bflag:$0x0] =	sbarrier.arrive $0xFFFF  }
0x58: {  	_ =	swait.ge [sflag:s7], $0x1F40  }
0x59: {  	[sflag:s7] =	ssyncset.done $0x0  }
0x5a: {  	s10 =	simm.s32 $0x5000;
	[sflag:s7] =	ssyncadd.s32 $0xFFFFE0C0  }
0x5b: {  	[spmem:s4] =	stream.indirect.scatter.add.f32 [tilespmem:s19], [sflag:$0x7], $0x40, s10, s18, $0xb8;
	[tilespmem:$0x1FA40] =	vst v63  }
0x5c: {  	s13 =	smov.u32 s12;
	s12 =	simm.s32 $0x200  }
0x5d: {  	[tilespmem:s28], [sflag:$0x5] =	stream.indirect.gather [hbm4b:s1+s18], $0x40, s12, s18, $0xb8;
	[tilespmem:$0x1FA40] =	vst v63  }
0x5e: {  	_ =	swait.ge [sflag:s9], $0x1F40  }
0x5f: {  	[sflag:s9] =	ssyncset.done $0x0  }
0x60: {  	s15 =	simm.s32 $0x5080;
	[sflag:s9] =	ssyncadd.s32 $0xFFFFE0C0  }
0x61: {  	[spmem:s4] =	stream.indirect.scatter.add.f32 [tilespmem:s21], [sflag:$0x8], $0x40, s15, s18, $0xb8;
	[tilespmem:$0x1FA40] =	vst v63  }
0x62: {  	s3 =	smov.u32 s8;
	s8 =	simm.s32 $0x280  }
0x63: {  	[tilespmem:s30], [sflag:$0x6] =	stream.indirect.gather [hbm4b:s1+s18], $0x40, s8, s18, $0xb8;
	[tilespmem:$0x1FA40] =	vst v63  }
0x64: {  	_ =	swait.ge [sflag:s16], $0x1F40  }
0x65: {  	[sflag:s16] =	ssyncset.done $0x0  }
0x66: {  	s10 =	simm.s32 $0x300;
	[sflag:s16] =	ssyncadd.s32 $0xFFFFE0C0  }
0x67: {  	[tilespmem:s19], [sflag:$0x1] =	stream.indirect.gather [hbm4b:s1+s18], $0x40, s10, s18, $0xb8;
	[tilespmem:$0x1FA40] =	vst v63  }
0x68: {  	_ =	swait.ge [sflag:s14], $0x1F40  }
0x69: {  	[sflag:s14] =	ssyncset.done $0x0  }
0x6a: {  	s11 =	simm.s32 $0x5100;
	[sflag:s14] =	ssyncadd.s32 $0xFFFFE0C0  }
0x6b: {  	[spmem:s4] =	stream.indirect.scatter.add.f32 [tilespmem:s23], [sflag:$0x9], $0x40, s11, s18, $0xb8;
	[tilespmem:$0x1FA40] =	vst v63  }
0x6c: {  	_ =	swait.ge [sflag:s29], $0x1F40  }
0x6d: {  	[sflag:s29] =	ssyncset.done $0x0  }
0x6e: {  	s12 =	simm.s32 $0x380;
	[sflag:s29] =	ssyncadd.s32 $0xFFFFE0C0  }
0x6f: {  	[tilespmem:s21], [sflag:$0x2] =	stream.indirect.gather [hbm4b:s1+s18], $0x40, s12, s18, $0xb8;
	[tilespmem:$0x1FA40] =	vst v63  }
0x70: {  	_ =	swait.ge [sflag:s0], $0x1F40  }
0x71: {  	[sflag:s0] =	ssyncset.done $0x0  }
0x72: {  	s15 =	simm.s32 $0x5180;
	[sflag:s0] =	ssyncadd.s32 $0xFFFFE0C0  }
0x73: {  	[spmem:s4] =	stream.indirect.scatter.add.f32 [tilespmem:s25], [sflag:$0xA], $0x40, s15, s18, $0xb8;
	[tilespmem:$0x1FA40] =	vst v63  }
0x74: {  	_ =	swait.ge [sflag:s22], $0x1F40  }
0x75: {  	[sflag:s22] =	ssyncset.done $0x0  }
0x76: {  	s8 =	simm.s32 $0x400;
	[sflag:s22] =	ssyncadd.s32 $0xFFFFE0C0  }
0x77: {  	[tilespmem:s23], [sflag:$0x3] =	stream.indirect.gather [hbm4b:s1+s18], $0x40, s8, s18, $0xb8;
	[tilespmem:$0x1FA40] =	vst v63  }
0x78: {  	_ =	swait.ge [sflag:s31], $0x1F40  }
0x79: {  	[sflag:s31] =	ssyncset.done $0x0  }
0x7a: {  	s10 =	simm.s32 $0x5200;
	[sflag:s31] =	ssyncadd.s32 $0xFFFFE0C0  }
0x7b: {  	[spmem:s4] =	stream.indirect.scatter.add.f32 [tilespmem:s28], [sflag:$0xB], $0x40, s10, s18, $0xb8;
	[tilespmem:$0x1FA40] =	vst v63  }
0x7c: {  	_ =	swait.ge [sflag:s6], $0x1F40  }
0x7d: {  	[sflag:s6] =	ssyncset.done $0x0  }
0x7e: {  	s11 =	simm.s32 $0x480;
	[sflag:s6] =	ssyncadd.s32 $0xFFFFE0C0  }
0x7f: {  	[tilespmem:s25], [sflag:$0x4] =	stream.indirect.gather [hbm4b:s1+s18], $0x40, s11, s18, $0xb8;
	[tilespmem:$0x1FA40] =	vst v63  }
0x80: {  	_ =	swait.ge [sflag:s20], $0x1F40  }
0x81: {  	[sflag:s20] =	ssyncset.done $0x0  }
0x82: {  	s12 =	simm.s32 $0x5280;
	[sflag:s20] =	ssyncadd.s32 $0xFFFFE0C0  }
0x83: {  	[spmem:s4] =	stream.indirect.scatter.add.f32 [tilespmem:s30], [sflag:$0xC], $0x40, s12, s18, $0xb8;
	[tilespmem:$0x1FA40] =	vst v63  }
0x84: {  	_ =	swait.ge [sflag:s17], $0x1F40  }
0x85: {  	[sflag:s17] =	ssyncset.done $0x0  }
0x86: {  	s15 =	simm.s32 $0x500;
	[sflag:s17] =	ssyncadd.s32 $0xFFFFE0C0  }
0x87: {  	[tilespmem:s28], [sflag:$0x5] =	stream.indirect.gather [hbm4b:s1+s18], $0x40, s15, s18, $0xb8;
	[tilespmem:$0x1FA40] =	vst v63  }
0x88: {  	_ =	swait.ge [sflag:s7], $0x1F40  }
0x89: {  	[sflag:s7] =	ssyncset.done $0x0  }
0x8a: {  	s8 =	simm.s32 $0x5300;
	[sflag:s7] =	ssyncadd.s32 $0xFFFFE0C0  }
0x8b: {  	[spmem:s4] =	stream.indirect.scatter.add.f32 [tilespmem:s19], [sflag:$0x7], $0x40, s8, s18, $0xb8;
	[tilespmem:$0x1FA40] =	vst v63  }
0x8c: {  	_ =	swait.ge [sflag:s26], $0x1F40  }
0x8d: {  	[sflag:s26] =	ssyncset.done $0x0  }
0x8e: {  	s10 =	simm.s32 $0x580;
	[sflag:s26] =	ssyncadd.s32 $0xFFFFE0C0  }
0x8f: {  	[tilespmem:s30], [sflag:$0x6] =	stream.indirect.gather [hbm4b:s1+s18], $0x40, s10, s18, $0xb8;
	[tilespmem:$0x1FA40] =	vst v63  }
0x90: {  	_ =	swait.ge [sflag:s9], $0x1F40  }
0x91: {  	[sflag:s9] =	ssyncset.done $0x0  }
0x92: {  	s11 =	simm.s32 $0x5380;
	[sflag:s9] =	ssyncadd.s32 $0xFFFFE0C0  }
0x93: {  	[spmem:s4] =	stream.indirect.scatter.add.f32 [tilespmem:s21], [sflag:$0x8], $0x40, s11, s18, $0xb8;
	[tilespmem:$0x1FA40] =	vst v63  }
0x94: {  	_ =	swait.ge [sflag:s16], $0x1F40  }
0x95: {  	[sflag:s16] =	ssyncset.done $0x0  }
0x96: {  	s12 =	simm.s32 $0x600;
	[sflag:s16] =	ssyncadd.s32 $0xFFFFE0C0  }
0x97: {  	[tilespmem:s19], [sflag:$0x1] =	stream.indirect.gather [hbm4b:s1+s18], $0x40, s12, s18, $0xb8;
	[tilespmem:$0x1FA40] =	vst v63  }
0x98: {  	_ =	swait.ge [sflag:s14], $0x1F40  }
0x99: {  	[sflag:s14] =	ssyncset.done $0x0  }
0x9a: {  	s15 =	simm.s32 $0x5400;
	[sflag:s14] =	ssyncadd.s32 $0xFFFFE0C0  }
0x9b: {  	[spmem:s4] =	stream.indirect.scatter.add.f32 [tilespmem:s23], [sflag:$0x9], $0x40, s15, s18, $0xb8;
	[tilespmem:$0x1FA40] =	vst v63  }
0x9c: {  	_ =	swait.ge [sflag:s29], $0x1F40  }
0x9d: {  	[sflag:s29] =	ssyncset.done $0x0  }
0x9e: {  	s8 =	simm.s32 $0x680;
	[sflag:s29] =	ssyncadd.s32 $0xFFFFE0C0  }
0x9f: {  	[tilespmem:s21], [sflag:$0x2] =	stream.indirect.gather [hbm4b:s1+s18], $0x40, s8, s18, $0xb8;
	[tilespmem:$0x1FA40] =	vst v63  }
0xa0: {  	_ =	swait.ge [sflag:s0], $0x1F40  }
0xa1: {  	[sflag:s0] =	ssyncset.done $0x0  }
0xa2: {  	s10 =	simm.s32 $0x5480;
	[sflag:s0] =	ssyncadd.s32 $0xFFFFE0C0  }
0xa3: {  	[spmem:s4] =	stream.indirect.scatter.add.f32 [tilespmem:s25], [sflag:$0xA], $0x40, s10, s18, $0xb8;
	[tilespmem:$0x1FA40] =	vst v63  }
0xa4: {  	_ =	swait.ge [sflag:s22], $0x1F40  }
0xa5: {  	[sflag:s22] =	ssyncset.done $0x0  }
0xa6: {  	s11 =	simm.s32 $0x700;
	[sflag:s22] =	ssyncadd.s32 $0xFFFFE0C0  }
0xa7: {  	[tilespmem:s23], [sflag:$0x3] =	stream.indirect.gather [hbm4b:s1+s18], $0x40, s11, s18, $0xb8;
	[tilespmem:$0x1FA40] =	vst v63  }
0xa8: {  	_ =	swait.ge [sflag:s31], $0x1F40  }
0xa9: {  	[sflag:s31] =	ssyncset.done $0x0  }
0xaa: {  	s12 =	simm.s32 $0x5500;
	[sflag:s31] =	ssyncadd.s32 $0xFFFFE0C0  }
0xab: {  	[spmem:s4] =	stream.indirect.scatter.add.f32 [tilespmem:s28], [sflag:$0xB], $0x40, s12, s18, $0xb8;
	[tilespmem:$0x1FA40] =	vst v63  }
0xac: {  	_ =	swait.ge [sflag:s6], $0x1F40  }
0xad: {  	[sflag:s6] =	ssyncset.done $0x0  }
0xae: {  	s15 =	simm.s32 $0x780;
	[sflag:s6] =	ssyncadd.s32 $0xFFFFE0C0  }
0xaf: {  	[tilespmem:s25], [sflag:$0x4] =	stream.indirect.gather [hbm4b:s1+s18], $0x40, s15, s18, $0xb8;
	[tilespmem:$0x1FA40] =	vst v63  }
0xb0: {  	_ =	swait.ge [sflag:s20], $0x1F40  }
0xb1: {  	[sflag:s20] =	ssyncset.done $0x0  }
0xb2: {  	s5 =	simm.s32 $0x5580;
	s15 =	simm.s32 $0xC00;
	[sflag:s20] =	ssyncadd.s32 $0xFFFFE0C0  }
.LBB2_2:
0xb3: {  	[spmem:s4] =	stream.indirect.scatter.add.f32 [tilespmem:s30], [sflag:$0xC], $0x40, s5, s18, $0xb8;
	[tilespmem:$0x1FA40] =	vst v63  }
0xb4: {  	s5 =	smov.u32 s15  }
0xb5: {  	p0 =	sne.s32 s15, $0x12000;
	s15 =	sadd.s32 $0xC00, s15;
	_ =	swait.ge [sflag:s17], $0x1F40  }
0xb6: {  	s5 =	sshra.s32 s5, $0x2;
	[sflag:s17] =	ssyncset.done $0x0  }
0xb7: {  	s10 =	sadd.s32 $0x500, s5;
	[sflag:s17] =	ssyncadd.s32 $0xFFFFE0C0  }
0xb8: {  	[tilespmem:s28], [sflag:$0x5] =	stream.indirect.gather [hbm4b:s1+s18], $0x40, s10, s18, $0xb8;
	[tilespmem:$0x1FA40] =	vst v63  }
0xb9: {  	_ =	swait.ge [sflag:s7], $0x1F40  }
0xba: {  	[sflag:s7] =	ssyncset.done $0x0  }
0xbb: {  	s10 =	sadd.s32 $0x5300, s5;
	[sflag:s7] =	ssyncadd.s32 $0xFFFFE0C0  }
0xbc: {  	[spmem:s4] =	stream.indirect.scatter.add.f32 [tilespmem:s19], [sflag:$0x7], $0x40, s10, s18, $0xb8;
	[tilespmem:$0x1FA40] =	vst v63  }
0xbd: {  	_ =	swait.ge [sflag:s26], $0x1F40  }
0xbe: {  	[sflag:s26] =	ssyncset.done $0x0  }
0xbf: {  	s10 =	sadd.s32 $0x580, s5;
	[sflag:s26] =	ssyncadd.s32 $0xFFFFE0C0  }
0xc0: {  	[tilespmem:s30], [sflag:$0x6] =	stream.indirect.gather [hbm4b:s1+s18], $0x40, s10, s18, $0xb8;
	[tilespmem:$0x1FA40] =	vst v63  }
0xc1: {  	_ =	swait.ge [sflag:s9], $0x1F40  }
0xc2: {  	[sflag:s9] =	ssyncset.done $0x0  }
0xc3: {  	s10 =	sadd.s32 $0x5380, s5;
	[sflag:s9] =	ssyncadd.s32 $0xFFFFE0C0  }
0xc4: {  	[spmem:s4] =	stream.indirect.scatter.add.f32 [tilespmem:s21], [sflag:$0x8], $0x40, s10, s18, $0xb8;
	[tilespmem:$0x1FA40] =	vst v63  }
0xc5: {  	_ =	swait.ge [sflag:s16], $0x1F40  }
0xc6: {  	[sflag:s16] =	ssyncset.done $0x0  }
0xc7: {  	s10 =	sadd.s32 $0x600, s5;
	[sflag:s16] =	ssyncadd.s32 $0xFFFFE0C0  }
0xc8: {  	[tilespmem:s19], [sflag:$0x1] =	stream.indirect.gather [hbm4b:s1+s18], $0x40, s10, s18, $0xb8;
	[tilespmem:$0x1FA40] =	vst v63  }
0xc9: {  	_ =	swait.ge [sflag:s14], $0x1F40  }
0xca: {  	[sflag:s14] =	ssyncset.done $0x0  }
0xcb: {  	s10 =	sadd.s32 $0x5400, s5;
	[sflag:s14] =	ssyncadd.s32 $0xFFFFE0C0  }
0xcc: {  	[spmem:s4] =	stream.indirect.scatter.add.f32 [tilespmem:s23], [sflag:$0x9], $0x40, s10, s18, $0xb8;
	[tilespmem:$0x1FA40] =	vst v63  }
0xcd: {  	_ =	swait.ge [sflag:s29], $0x1F40  }
0xce: {  	[sflag:s29] =	ssyncset.done $0x0  }
0xcf: {  	s10 =	sadd.s32 $0x680, s5;
	[sflag:s29] =	ssyncadd.s32 $0xFFFFE0C0  }
0xd0: {  	[tilespmem:s21], [sflag:$0x2] =	stream.indirect.gather [hbm4b:s1+s18], $0x40, s10, s18, $0xb8;
	[tilespmem:$0x1FA40] =	vst v63  }
0xd1: {  	_ =	swait.ge [sflag:s0], $0x1F40  }
0xd2: {  	[sflag:s0] =	ssyncset.done $0x0  }
0xd3: {  	s10 =	sadd.s32 $0x5480, s5;
	[sflag:s0] =	ssyncadd.s32 $0xFFFFE0C0  }
0xd4: {  	[spmem:s4] =	stream.indirect.scatter.add.f32 [tilespmem:s25], [sflag:$0xA], $0x40, s10, s18, $0xb8;
	[tilespmem:$0x1FA40] =	vst v63  }
0xd5: {  	_ =	swait.ge [sflag:s22], $0x1F40  }
0xd6: {  	[sflag:s22] =	ssyncset.done $0x0  }
0xd7: {  	s10 =	sadd.s32 $0x700, s5;
	[sflag:s22] =	ssyncadd.s32 $0xFFFFE0C0  }
0xd8: {  	[tilespmem:s23], [sflag:$0x3] =	stream.indirect.gather [hbm4b:s1+s18], $0x40, s10, s18, $0xb8;
	[tilespmem:$0x1FA40] =	vst v63  }
0xd9: {  	_ =	swait.ge [sflag:s31], $0x1F40  }
0xda: {  	[sflag:s31] =	ssyncset.done $0x0  }
0xdb: {  	s10 =	sadd.s32 $0x5500, s5;
	[sflag:s31] =	ssyncadd.s32 $0xFFFFE0C0  }
0xdc: {  	[spmem:s4] =	stream.indirect.scatter.add.f32 [tilespmem:s28], [sflag:$0xB], $0x40, s10, s18, $0xb8;
	[tilespmem:$0x1FA40] =	vst v63  }
0xdd: {  	_ =	swait.ge [sflag:s6], $0x1F40  }
0xde: {  	[sflag:s6] =	ssyncset.done $0x0  }
.Ltmp0:
0xdf: {  	s10 =	sadd.s32 $0x780, s5;
	[sflag:s6] =	ssyncadd.s32 $0xFFFFE0C0;
	(pc) =	sbr.rel @p0 .LBB2_2-.Ltmp0, $4  }
0xe0: {  	[tilespmem:s25], [sflag:$0x4] =	stream.indirect.gather [hbm4b:s1+s18], $0x40, s10, s18, $0xb8;
	[tilespmem:$0x1FA40] =	vst v63  }
0xe1: {  	_ =	swait.ge [sflag:s20], $0x1F40  }
0xe2: {  	[sflag:s20] =	ssyncset.done $0x0  }
0xe3: {  	s5 =	sadd.s32 $0x5580, s5;
	[sflag:s20] =	ssyncadd.s32 $0xFFFFE0C0  }
0xe4: {  	[spmem:s4] =	stream.indirect.scatter.add.f32 [tilespmem:s30], [sflag:$0xC], $0x40, s5, s18, $0xb8;
	[tilespmem:$0x1FA40] =	vst v63  }
0xe5: {  	_ =	swait.ge [sflag:s17], $0x1F40  }
0xe6: {  	[sflag:s17] =	ssyncset.done $0x0  }
0xe7: {  	[sflag:s17] =	ssyncadd.s32 $0xFFFFE0C0  }
0xe8: {  	_ =	swait.ge [sflag:s7], $0x1F40  }
0xe9: {  	[sflag:s7] =	ssyncset.done $0x0  }
0xea: {  	s15 =	simm.s32 $0x9E00;
	[sflag:s7] =	ssyncadd.s32 $0xFFFFE0C0  }
0xeb: {  	[spmem:s4] =	stream.indirect.scatter.add.f32 [tilespmem:s19], [sflag:$0x7], $0x40, s15, s18, $0xb8;
	[tilespmem:$0x1FA40] =	vst v63  }
0xec: {  	_ =	swait.ge [sflag:s26], $0x1F40  }
0xed: {  	[sflag:s26] =	ssyncset.done $0x0  }
0xee: {  	[sflag:s26] =	ssyncadd.s32 $0xFFFFE0C0  }
0xef: {  	_ =	swait.ge [sflag:s9], $0x1F40  }
0xf0: {  	[sflag:s9] =	ssyncset.done $0x0  }
0xf1: {  	s8 =	simm.s32 $0x9E80;
	[sflag:s9] =	ssyncadd.s32 $0xFFFFE0C0  }
0xf2: {  	[spmem:s4] =	stream.indirect.scatter.add.f32 [tilespmem:s21], [sflag:$0x8], $0x40, s8, s18, $0xb8;
	[tilespmem:$0x1FA40] =	vst v63  }
0xf3: {  	_ =	swait.ge [sflag:s16], $0x1F40  }
0xf4: {  	[sflag:s16] =	ssyncset.done $0x0  }
0xf5: {  	[sflag:s16] =	ssyncadd.s32 $0xFFFFE0C0  }
0xf6: {  	_ =	swait.ge [sflag:s14], $0x1F40  }
0xf7: {  	[sflag:s14] =	ssyncset.done $0x0  }
0xf8: {  	s10 =	simm.s32 $0x9F00;
	[sflag:s14] =	ssyncadd.s32 $0xFFFFE0C0  }
0xf9: {  	[spmem:s4] =	stream.indirect.scatter.add.f32 [tilespmem:s23], [sflag:$0x9], $0x40, s10, s18, $0xb8;
	[tilespmem:$0x1FA40] =	vst v63  }
0xfa: {  	_ =	swait.ge [sflag:s29], $0x1F40  }
0xfb: {  	[sflag:s29] =	ssyncset.done $0x0  }
0xfc: {  	[sflag:s29] =	ssyncadd.s32 $0xFFFFE0C0  }
0xfd: {  	_ =	swait.ge [sflag:s0], $0x1F40  }
0xfe: {  	[sflag:s0] =	ssyncset.done $0x0  }
0xff: {  	s11 =	simm.s32 $0x9F80;
	[sflag:s0] =	ssyncadd.s32 $0xFFFFE0C0  }
0x100: {  	[spmem:s4] =	stream.indirect.scatter.add.f32 [tilespmem:s25], [sflag:$0xA], $0x40, s11, s18, $0xb8;
	[tilespmem:$0x1FA40] =	vst v63  }
0x101: {  	_ =	swait.ge [sflag:s22], $0x1F40  }
0x102: {  	[sflag:s22] =	ssyncset.done $0x0  }
0x103: {  	[sflag:s22] =	ssyncadd.s32 $0xFFFFE0C0  }
0x104: {  	_ =	swait.ge [sflag:s6], $0x1F40  }
0x105: {  	[sflag:s6] =	ssyncset.done $0x0  }
0x106: {  	[sflag:s6] =	ssyncadd.s32 $0xFFFFE0C0  }
0x107: {  	[bflag:$0x0] =	sbarrier.arrive $0xFFFF  }
0x108: {  	s10 =	rddreg [dreg:$0x8]  }
0x109: {  	[tilespmem:s19], [sflag:$0xD] =	stream.linear.gather [spmem:s10], $0x1F40, $0x38;
	[tilespmem:$0x1FA40] =	vst v63  }
0x10a: {  	_ =	swait.ge [sflag:s2], $0x1F40  }
0x10b: {  	[sflag:s2] =	ssyncset.done $0x0  }
0x10c: {  	[sflag:s2] =	ssyncadd.s32 $0xFFFFE0C0  }
0x10d: {  	s8 =	simm.s32 $0xA000;
	s5 =	rddreg [dreg:$0x2]  }
0x10e: {  	[hbm4b:s5+s18] =	stream.indirect.scatter [tilespmem:s19], [sflag:$0x1], $0x40, s8, s18, $0xb8;
	[tilespmem:$0x1FA40] =	vst v63  }
0x10f: {  	s15 =	rddreg [dreg:$0xa]  }
0x110: {  	[tilespmem:s21], [sflag:$0xD] =	stream.linear.gather [spmem:s15], $0x1F40, $0x38;
	[tilespmem:$0x1FA40] =	vst v63  }
0x111: {  	_ =	swait.ge [sflag:s2], $0x1F40  }
0x112: {  	[sflag:s2] =	ssyncset.done $0x0  }
0x113: {  	s12 =	simm.s32 $0xA080;
	[sflag:s2] =	ssyncadd.s32 $0xFFFFE0C0  }
0x114: {  	[hbm4b:s5+s18] =	stream.indirect.scatter [tilespmem:s21], [sflag:$0x2], $0x40, s12, s18, $0xb8;
	[tilespmem:$0x1FA40] =	vst v63  }
0x115: {  	_ =	swait.ge [sflag:s7], $0x1F40  }
0x116: {  	[sflag:s7] =	ssyncset.done $0x0  }
0x117: {  	[sflag:s7] =	ssyncadd.s32 $0xFFFFE0C0  }
0x118: {  	[tilespmem:s19], [sflag:$0xD] =	stream.linear.gather [spmem:s13], $0x1F40, $0x38;
	[tilespmem:$0x1FA40] =	vst v63  }
0x119: {  	_ =	swait.ge [sflag:s2], $0x1F40  }
0x11a: {  	[sflag:s2] =	ssyncset.done $0x0  }
0x11b: {  	[sflag:s2] =	ssyncadd.s32 $0xFFFFE0C0  }
0x11c: {  	[hbm4b:s5+s18] =	stream.indirect.scatter [tilespmem:s19], [sflag:$0x1], $0x40, s24, s18, $0xb8;
	[tilespmem:$0x1FA40] =	vst v63  }
0x11d: {  	_ =	swait.ge [sflag:s9], $0x1F40  }
0x11e: {  	[sflag:s9] =	ssyncset.done $0x0  }
0x11f: {  	s8 =	smov.u32 s3;
	[sflag:s9] =	ssyncadd.s32 $0xFFFFE0C0  }
0x120: {  	[tilespmem:s21], [sflag:$0xD] =	stream.linear.gather [spmem:s8], $0x1F40, $0x38;
	[tilespmem:$0x1FA40] =	vst v63  }
0x121: {  	_ =	swait.ge [sflag:s2], $0x1F40  }
0x122: {  	[sflag:s2] =	ssyncset.done $0x0  }
0x123: {  	s11 =	simm.s32 $0xA180;
	[sflag:s2] =	ssyncadd.s32 $0xFFFFE0C0  }
0x124: {  	[hbm4b:s5+s18] =	stream.indirect.scatter [tilespmem:s21], [sflag:$0x2], $0x40, s11, s18, $0xb8;
	[tilespmem:$0x1FA40] =	vst v63  }
0x125: {  	_ =	swait.ge [sflag:s7], $0x1F40  }
0x126: {  	[sflag:s7] =	ssyncset.done $0x0  }
0x127: {  	s3 =	smov.u32 s10;
	s10 =	rddreg [dreg:$0x9];
	[sflag:s7] =	ssyncadd.s32 $0xFFFFE0C0  }
0x128: {  	[tilespmem:s19], [sflag:$0xD] =	stream.linear.gather [spmem:s10], $0x1F40, $0x38;
	[tilespmem:$0x1FA40] =	vst v63  }
0x129: {  	_ =	swait.ge [sflag:s2], $0x1F40  }
0x12a: {  	[sflag:s2] =	ssyncset.done $0x0  }
0x12b: {  	s11 =	simm.s32 $0xA200;
	[sflag:s2] =	ssyncadd.s32 $0xFFFFE0C0  }
0x12c: {  	[hbm4b:s5+s18] =	stream.indirect.scatter [tilespmem:s19], [sflag:$0x1], $0x40, s11, s18, $0xb8;
	[tilespmem:$0x1FA40] =	vst v63  }
0x12d: {  	_ =	swait.ge [sflag:s9], $0x1F40  }
0x12e: {  	[sflag:s9] =	ssyncset.done $0x0  }
0x12f: {  	[sflag:s9] =	ssyncadd.s32 $0xFFFFE0C0  }
0x130: {  	_ =	swait.ge [sflag:s7], $0x1F40  }
0x131: {  	s12 =	smov.u32 s13;
	s13 =	rddreg [dreg:$0xc]  }
0x132: {  	s24 =	rddreg [dreg:$0xb];
	s11 =	sadd.s32 $0x1, s13  }
0x133: {  	p0 =	sne.s32 s11, s24  }
.Ltmp1:
0x134: {  	_ = 	snop;
	(pc) =	sbr.rel @p0 .LBB2_1-.Ltmp1, $3  }
0x135: {  	_ =	sdelay $0x1  }
0x136: {  	[sflag:s7] =	ssyncset.done $0x0  }
0x137: {  	[sflag:s7] =	ssyncadd.s32 $0xFFFFE0C0  }
0x138: {  	_ =	sfence.sel $0x180000  }
0x139: {  	[bflag:$0x0] =	sbarrier.arrive $0xFFFF  }
0x13a: {  	_ =	strace $0x90000047  }
0x13b: {  	s0 =	stileid.u32;
	[bflag:$0x2] =	sbarrier.arrive $0xFFFF  }
0x13c: {  	p0 =	sne.s32 s0, $0x0;
	s0 =	rddreg [dreg:$0x4]  }
0x13d: {  	s0 =	sadd.s32 @!p0 $0x100000, s0  }
0x13e: {  	[sflag:s0] =	ssyncadd.tile.s32 @!p0 $0x1;
	_ =	shalt  }
.Lfunc_end2:
_tile_overlayer_lowered:
.L_overlay_start_2:
0x13f: {  	(tag) =	ssettag $0x2  }
0x140: {  	s0 =	rddreg [dreg:$0x0];
	s2 =	stileid.u32  }
0x141: {  	s1 =	rddreg [dreg:$0x1];
	p0 =	sne.s32 s2, $0x0  }
0x142: {  	s3 =	rddreg [dreg:$0x2];
	[bflag:$0x3] =	sbarrier.arrive $0xFFFF;
	s2 =	simm.s32 @!p0 $0x1C0D  }
0x143: {  	[timem:s3], [sflag:s2] =	dma.local @!p0 [hbm:s0], s1  }
0x144: {  	s0 =	simm.s32 @!p0 $0xD  }
0x145: {  	_ =	swait.ge @!p0 [sflag:s0], s1  }
0x146: {  	s1 =	ssub.s32 @!p0 $0x0, s1;
	[sflag:s0] =	ssyncset.done @!p0 $0x0  }
0x147: {  	[sflag:s0] =	ssyncadd.s32 @!p0 s1  }
0x148: {  	[bflag:$0x3] =	sbarrier.arrive $0xFFFF  }
0x149: {  	_ =	shalt  }

</sc_bundles>
